<compile_context>
chip_gen: v7x
topology: tpu7x:2x2x1
jax: 0.10.2.dev20260603
libtpu: 0.0.44.dev20260713+nightly
codegen_flags: <defaults>
</compile_context>

<pallas_src>
import jax
import jax.numpy as jnp
from jax import lax
from jax.experimental import pallas as pl
from jax.experimental.pallas import tpu as pltpu
from jax.experimental.pallas import tpu_sc as plsc

N = 10000
E = 160000
D_IN = 128
D_OUT = 20
DP = 32
D_EDGE = 16
H = 64
NG = 64
N_ACT = 16
HID = 256
EPS = 1e-5

NC = 2
NS = 16
NW = NC * NS
CHUNK = 125
ROWS_W = E // NW // CHUNK
N_PAD = 10240
N_TILE = N_PAD // NS

TE_STATS = 6400
TE_MSG = 3200
E_HALF = E // 2
ROWS_H = ROWS_W // 2
TN_FIN = 2000


def _stats_body(eat_ref, x_ref, root_ref, bias_ref, out_ref, xr_ref):
    i = pl.program_id(0)
    eat = eat_ref[...]
    aug = jnp.concatenate(
        [eat, jnp.ones((1, eat.shape[1]), jnp.float32)], axis=0)
    part = lax.dot_general(aug, aug, (((1,), (1,)), ((), ())),
                           preferred_element_type=jnp.float32)

    @pl.when(i == 0)
    def _():
        out_ref[...] = part

    @pl.when(i > 0)
    def _():
        out_ref[...] = out_ref[...] + part

    xr_ref[...] = jnp.dot(x_ref[...], root_ref[...],
                          preferred_element_type=jnp.float32) + bias_ref[...]


def _edge_stats(eat, x, root_p, bias_p):
    nsteps = E // TE_STATS
    return pl.pallas_call(
        _stats_body,
        grid=(nsteps,),
        in_specs=[
            pl.BlockSpec((D_EDGE, TE_STATS), lambda i: (0, i)),
            pl.BlockSpec((N // nsteps, D_IN), lambda i: (i, 0)),
            pl.BlockSpec((D_IN, DP), lambda i: (0, 0)),
            pl.BlockSpec((1, DP), lambda i: (0, 0)),
        ],
        out_specs=(
            pl.BlockSpec((D_EDGE + 1, D_EDGE + 1), lambda i: (0, 0)),
            pl.BlockSpec((N // nsteps, DP), lambda i: (i, 0)),
        ),
        out_shape=(
            jax.ShapeDtypeStruct((D_EDGE + 1, D_EDGE + 1), jnp.float32),
            jax.ShapeDtypeStruct((N, DP), jnp.float32),
        ),
    )(eat, x, root_p, bias_p)


def _gather_body(x_hbm, src_hbm, out_hbm, idx_v, rows_v, sem):
    c = lax.axis_index("c")
    s = lax.axis_index("s")
    wid = s * NC + c
    pltpu.sync_copy(src_hbm.at[pl.ds(wid * ROWS_W, ROWS_W)], idx_v)

    def body(j, carry):
        pltpu.async_copy(x_hbm.at[idx_v.at[j]], rows_v, sem).wait()
        pltpu.sync_copy(
            rows_v, out_hbm.at[pl.ds(wid * ROWS_W * CHUNK + j * CHUNK, CHUNK)])
        return carry

    lax.fori_loop(0, ROWS_W, body, 0)


def _gather_rows(x, src2d):
    kfn = pl.kernel(
        _gather_body,
        out_type=jax.ShapeDtypeStruct((E, D_IN), jnp.float32),
        mesh=plsc.VectorSubcoreMesh(core_axis_name="c", subcore_axis_name="s"),
        compiler_params=pltpu.CompilerParams(use_tc_tiling_on_sc=False),
        scratch_types=[
            pltpu.VMEM((ROWS_W, CHUNK), jnp.int32),
            pltpu.VMEM((CHUNK, D_IN), jnp.float32),
            pltpu.SemaphoreType.DMA,
        ],
    )
    return kfn(x, src2d)


def _msg_body(eat_ref, xs_ref, W1_ref, a_ref, c_ref, W2f_ref, S_ref, b2r_ref,
              m_ref):
    eat = eat_ref[...]
    xs = xs_ref[...]
    xsb = xs.astype(jnp.bfloat16)
    h = lax.dot_general(eat, W1_ref[...], (((0,), (0,)), ((), ())),
                        preferred_element_type=jnp.float32)
    h = jnp.maximum(h * a_ref[...] + c_ref[...], 0.0)
    h2 = jnp.concatenate([h, h], axis=1)
    m = jnp.dot(xsb, b2r_ref[...], preferred_element_type=jnp.float32)
    for j in range(D_OUT // 2):
        Gj = jnp.dot(xsb, W2f_ref[:, j * D_IN:(j + 1) * D_IN],
                     preferred_element_type=jnp.float32)
        prodj = (Gj * h2).astype(jnp.bfloat16)
        m = m + jnp.dot(prodj, S_ref[j * D_IN:(j + 1) * D_IN, :],
                        preferred_element_type=jnp.float32)
    m_ref[...] = m


def _messages(eat, x_src, W1, a_vec, c_vec, W2flat, S, b2r, half):
    full = lambda r, c: pl.BlockSpec((r, c), lambda i: (0, 0))
    off = half * (E_HALF // TE_MSG)
    return pl.pallas_call(
        _msg_body,
        grid=(E_HALF // TE_MSG,),
        in_specs=[
            pl.BlockSpec((D_EDGE, TE_MSG), lambda i: (0, i + off)),
            pl.BlockSpec((TE_MSG, D_IN), lambda i: (i + off, 0)),
            full(D_EDGE, H),
            full(1, H),
            full(1, H),
            full(D_IN, D_OUT * H),
            full(D_OUT * H, DP),
            full(D_IN, DP),
        ],
        out_specs=pl.BlockSpec((TE_MSG, DP), lambda i: (i, 0)),
        out_shape=jax.ShapeDtypeStruct((E_HALF, DP), jnp.float32),
    )(eat, x_src, W1, a_vec, c_vec, W2flat, S, b2r)


def _scatter_body(m_hbm, dst_hbm, init_hbm, out_hbm, idx_v, mbuf, aggr_sh,
                  sem):
    c = lax.axis_index("c")
    s = lax.axis_index("s")
    wid = s * NC + c
    pltpu.sync_copy(init_hbm.at[c, pl.ds(s * N_TILE, N_TILE)],
                    aggr_sh.at[pl.ds(s * N_TILE, N_TILE)])
    pltpu.sync_copy(dst_hbm.at[pl.ds(wid * ROWS_H, ROWS_H)], idx_v)
    plsc.subcore_barrier()

    def body(j, carry):
        pltpu.sync_copy(
            m_hbm.at[pl.ds(wid * ROWS_H * CHUNK + j * CHUNK, CHUNK)], mbuf)
        pltpu.sync_copy(mbuf, aggr_sh.at[idx_v.at[j]], add=True)
        return carry

    lax.fori_loop(0, ROWS_H, body, 0)
    plsc.subcore_barrier()
    pltpu.sync_copy(aggr_sh.at[pl.ds(s * N_TILE, N_TILE)],
                    out_hbm.at[c, pl.ds(s * N_TILE, N_TILE)])


def _scatter_add(m, dst2d, init):
    kfn = pl.kernel(
        _scatter_body,
        out_type=jax.ShapeDtypeStruct((NC, N_PAD, DP), jnp.float32),
        mesh=plsc.VectorSubcoreMesh(core_axis_name="c", subcore_axis_name="s"),
        compiler_params=pltpu.CompilerParams(use_tc_tiling_on_sc=False),
        scratch_types=[
            pltpu.VMEM((ROWS_H, CHUNK), jnp.int32),
            pltpu.VMEM((CHUNK, DP), jnp.float32),
            pltpu.VMEM_SHARED((N_PAD, DP), jnp.float32),
            pltpu.SemaphoreType.DMA,
        ],
    )
    return kfn(m, dst2d, init)


def _final_body(p0_ref, p1_ref, xr_ref, b_ref, A1_ref, bA1_ref, A2_ref,
                bA2_ref, out_ref, acc_ref):
    i = pl.program_id(0)
    out32 = p0_ref[...] + p1_ref[...] + xr_ref[...]
    lanes = lax.broadcasted_iota(jnp.int32, (TN_FIN, DP), 1)
    out_aug = out32 + (lanes == D_OUT).astype(jnp.float32)
    gids = lax.broadcasted_iota(jnp.int32, (TN_FIN, NG), 1)
    onehot = (b_ref[...] == gids).astype(jnp.float32)
    part = lax.dot_general(onehot, out_aug, (((0,), (0,)), ((), ())),
                           preferred_element_type=jnp.float32)

    @pl.when(i == 0)
    def _():
        acc_ref[...] = part

    @pl.when(i > 0)
    def _():
        acc_ref[...] = acc_ref[...] + part

    @pl.when(i == (N // TN_FIN) - 1)
    def _():
        P = acc_ref[...]
        cnt = P[:, D_OUT:D_OUT + 1]
        pooled = P / jnp.maximum(cnt, 1.0)
        z = jnp.maximum(
            jnp.dot(pooled, A1_ref[...], preferred_element_type=jnp.float32)
            + bA1_ref[...], 0.0)
        out_ref[...] = jnp.dot(
            z, A2_ref[...], preferred_element_type=jnp.float32) + bA2_ref[...]


def _finalize(p0, p1, xroot, batch2d, A1p, bA1, A2, bA2):
    full = lambda r, c: pl.BlockSpec((r, c), lambda i: (0, 0))
    return pl.pallas_call(
        _final_body,
        grid=(N // TN_FIN,),
        in_specs=[
            pl.BlockSpec((TN_FIN, DP), lambda i: (i, 0)),
            pl.BlockSpec((TN_FIN, DP), lambda i: (i, 0)),
            pl.BlockSpec((TN_FIN, DP), lambda i: (i, 0)),
            pl.BlockSpec((TN_FIN, 1), lambda i: (i, 0)),
            full(DP, HID),
            full(1, HID),
            full(HID, N_ACT),
            full(1, N_ACT),
        ],
        out_specs=pl.BlockSpec((NG, N_ACT), lambda i: (0, 0)),
        out_shape=jax.ShapeDtypeStruct((NG, N_ACT), jnp.float32),
        scratch_shapes=[pltpu.VMEM((NG, DP), jnp.float32)],
    )(p0, p1, xroot, batch2d, A1p, bA1, A2, bA2)


def kernel(x, edge_index, edge_attr, batch, W1, b1, gamma, beta, W2, b2, root,
           bias, A1, bA1, A2, bA2):
    f32 = jnp.float32
    src2d = edge_index[0].reshape(NW * ROWS_W, CHUNK)
    dst2d = edge_index[1].reshape(NW * ROWS_W, CHUNK)
    root_p = jnp.pad(root, ((0, 0), (0, DP - D_OUT)))
    bias_p = jnp.pad(bias, (0, DP - D_OUT)).reshape(1, DP)

    eat = edge_attr.T
    C_aug, xroot = _edge_stats(eat, x, root_p, bias_p)
    s_vec = C_aug[D_EDGE, :D_EDGE]
    Cm = C_aug[:D_EDGE, :D_EDGE]
    mu = (s_vec / E) @ W1 + b1
    Eh2 = (jnp.einsum("ij,ik,kj->j", W1, Cm, W1)
           + 2.0 * b1 * (s_vec @ W1)) / E + b1 * b1
    var = Eh2 - mu * mu
    inv = gamma * lax.rsqrt(var + EPS)
    a_vec = inv.reshape(1, H)
    c_vec = ((b1 - mu) * inv + beta).reshape(1, H)

    W2flat = W2.T.reshape(D_IN, D_OUT * H).astype(jnp.bfloat16)
    col = jnp.arange(D_OUT * H, dtype=jnp.int32)[:, None]
    S = (col // H == jnp.arange(DP, dtype=jnp.int32)[None, :]).astype(
        jnp.bfloat16)
    b2r = jnp.pad(b2.reshape(D_IN, D_OUT),
                  ((0, 0), (0, DP - D_OUT))).astype(jnp.bfloat16)
    A1p = jnp.pad(A1, ((0, DP - D_OUT), (0, 0)))

    x_src = _gather_rows(x, src2d)

    m_a = _messages(eat, x_src, W1, a_vec, c_vec, W2flat, S, b2r, 0)
    m_b = _messages(eat, x_src, W1, a_vec, c_vec, W2flat, S, b2r, 1)

    nrow_h = NW * ROWS_H
    p_a = _scatter_add(m_a, dst2d[:nrow_h], jnp.zeros((NC, N_PAD, DP), f32))
    partials = _scatter_add(m_b, dst2d[nrow_h:], p_a)

    return _finalize(partials[0, :N], partials[1, :N], xroot,
                     batch.reshape(N, 1), A1p, bA1.reshape(1, HID), A2,
                     bA2.reshape(1, N_ACT))

# --- scband reference (transcript-rebuilt; emitter-appended) ---
"""Pipeline reference for scband-nnconv-actor-43439299231749 (READ-ONLY COPY).

The authoritative reference and input builder live on the scoring server;
editing this copy changes nothing except your own understanding.
"""

import jax, jax.numpy as jnp
import numpy as np

N = 10000
E = 160000
D_IN = 128
D_OUT = 20
D_EDGE = 16
H = 64
NG = 64
N_ACT = 16
HID = 256
EPS = 1e-5


def setup_inputs(seed: int = 0) -> dict:
    key = jax.random.key(seed)
    ks = jax.random.split(key, 20)
    x = jax.random.normal(ks[0], (N, D_IN), dtype=jnp.float32)
    edge_index = jax.random.randint(ks[1], (2, E), 0, N, dtype=jnp.int32)
    edge_attr = jax.random.normal(ks[2], (E, D_EDGE), dtype=jnp.float32)
    batch = jnp.sort(jax.random.randint(ks[3], (N,), 0, NG, dtype=jnp.int32))
    # edge-network params: Lin(16,64) -> BN(64) -> ReLU -> Lin(64, D_IN*D_OUT)
    W1 = jax.random.normal(ks[4], (D_EDGE, H), dtype=jnp.float32) * (1.0 / np.sqrt(D_EDGE))
    b1 = jnp.zeros((H,), dtype=jnp.float32)
    gamma = jnp.ones((H,), dtype=jnp.float32)
    beta = jnp.zeros((H,), dtype=jnp.float32)
    W2 = jax.random.normal(ks[5], (H, D_IN * D_OUT), dtype=jnp.float32) * (1.0 / np.sqrt(H))
    b2 = jnp.zeros((D_IN * D_OUT,), dtype=jnp.float32)
    # NNConv root weight + bias
    root = jax.random.normal(ks[6], (D_IN, D_OUT), dtype=jnp.float32) * (1.0 / np.sqrt(D_IN))
    bias = jnp.zeros((D_OUT,), dtype=jnp.float32)
    # actor MLP: Lin(20,256) -> ReLU -> Lin(256,16)
    A1 = jax.random.normal(ks[7], (D_OUT, HID), dtype=jnp.float32) * (1.0 / np.sqrt(D_OUT))
    bA1 = jnp.zeros((HID,), dtype=jnp.float32)
    A2 = jax.random.normal(ks[8], (HID, N_ACT), dtype=jnp.float32) * (1.0 / np.sqrt(HID))
    bA2 = jnp.zeros((N_ACT,), dtype=jnp.float32)
    return {"x": x, "edge_index": edge_index, "edge_attr": edge_attr, "batch": batch,
            "W1": W1, "b1": b1, "gamma": gamma, "beta": beta, "W2": W2, "b2": b2,
            "root": root, "bias": bias, "A1": A1, "bA1": bA1, "A2": A2, "bA2": bA2}


def reference(x, edge_index, edge_attr, batch, W1, b1, gamma, beta, W2, b2, root, bias, A1, bA1, A2, bA2):
    src = edge_index[0]
    dst = edge_index[1]
    # edge network: Lin -> BatchNorm1d (training-mode batch stats) -> ReLU -> Lin
    h = edge_attr @ W1 + b1
    mu = jnp.mean(h, axis=0)
    var = jnp.mean((h - mu) ** 2, axis=0)
    h = (h - mu) / jnp.sqrt(var + EPS) * gamma + beta
    h = jax.nn.relu(h)
    W_e = (h @ W2 + b2).reshape(E, D_IN, D_OUT)
    # NNConv message: m_e = x[src_e] @ W_e   (per-edge matmul)
    x_src = jnp.take(x, src, axis=0)
    m = jnp.einsum('ei,eio->eo', x_src, W_e)
    # aggregate (sum) at destination nodes
    aggr = jax.ops.segment_sum(m, dst, num_segments=N)
    out = aggr + x @ root + bias
    # global_mean_pool over batch ids
    sums = jax.ops.segment_sum(out, batch, num_segments=NG)
    cnt = jax.ops.segment_sum(jnp.ones((N, 1), dtype=jnp.float32), batch, num_segments=NG)
    pooled = sums / jnp.maximum(cnt, 1.0)
    # actor MLP
    a = jax.nn.relu(pooled @ A1 + bA1)
    return a @ A2 + bA2

if __name__ == "__main__":
    import jax
    _d = setup_inputs()
    print(jax.jit(kernel)(*tuple(_d.values())))

</pallas_src>

<mosaic_0001>
#map = affine_map<(d0, d1) -> (0, 0)>
#map1 = affine_map<(d0, d1) -> (0, 0, 0)>
module attributes {stable_mosaic.version = 14 : i64} {
  func.func @_scatter_body(%arg0: i32, %arg1: i32, %arg2: memref<80000x32xf32, #tpu.memory_space<hbm>>, %arg3: memref<640x125xi32, #tpu.memory_space<hbm>>, %arg4: memref<2x10240x32xf32, #tpu.memory_space<hbm>>, %arg5: memref<2x10240x32xf32, #tpu.memory_space<hbm>>, %arg6: memref<20x125xi32, #tpu.memory_space<vmem>>, %arg7: memref<125x32xf32, #tpu.memory_space<vmem>>, %arg8: memref<10240x32xf32, #tpu.memory_space<vmem_shared>>, %arg9: memref<!tpu.dma_semaphore, #tpu.memory_space<semaphore_mem>>) attributes {dimension_semantics = [#tpu.dimension_semantics<core_parallel>, #tpu.dimension_semantics<subcore_parallel>], iteration_bounds = array<i64: 2, 16>, scalar_prefetch = 0 : i64, scratch_operands = 4 : i64, tpu.core_type = #tpu.core_type<sc_vector_subcore>, window_params = [{transform_indices = #map}, {transform_indices = #map}, {transform_indices = #map1}, {transform_indices = #map1}]} {
    %mul3A = arith.constant 2 : i32
    %mul3A_0 = arith.muli %arg1, %mul3A : i32
    %add3A = arith.addi %mul3A_0, %arg0 : i32
    %mul3A_1 = arith.constant 640 : i32
    %mul3A_2 = arith.muli %arg1, %mul3A_1 : i32
    %mul3A_3 = arith.constant 640 : i32
    %mul3A_4 = arith.muli %arg1, %mul3A_3 : i32
    "tpu.region"() ({
      %run_scoped3A = tpu.sem_alloc : memref<!tpu.dma_semaphore, #tpu.memory_space<semaphore_mem>>
      %dma_start3A = arith.constant 0 : i32
      %dma_start3A_17 = tpu.memref_slice %arg8[%mul3A_4, %dma_start3A] : memref<10240x32xf32, #tpu.memory_space<vmem_shared>> -> memref<640x32xf32, #tpu.memory_space<vmem_shared>>
      %dma_start3A_18 = arith.constant 0 : i32
      %dma_start3A_19 = tpu.memref_slice %arg4[%arg0, %mul3A_2, %dma_start3A_18] : memref<2x10240x32xf32, #tpu.memory_space<hbm>> -> memref<1x640x32xf32, #tpu.memory_space<hbm>>
      %dma_start3A_20 = tpu.memref_squeeze %dma_start3A_19 : memref<1x640x32xf32, #tpu.memory_space<hbm>> -> memref<640x32xf32, #tpu.memory_space<hbm>>
      tpu.enqueue_dma source(%dma_start3A_20 : memref<640x32xf32, #tpu.memory_space<hbm>>) target(%dma_start3A_17 : memref<640x32xf32, #tpu.memory_space<vmem_shared>>) target_semaphore(%run_scoped3A : memref<!tpu.dma_semaphore, #tpu.memory_space<semaphore_mem>>)
      %dma_wait3A = arith.constant 0 : i32
      %dma_wait3A_21 = tpu.memref_slice %arg8[%mul3A_4, %dma_wait3A] : memref<10240x32xf32, #tpu.memory_space<vmem_shared>> -> memref<640x32xf32, #tpu.memory_space<vmem_shared>>
      %dma_wait3A_22 = arith.constant 0 : i32
      %dma_wait3A_23 = tpu.memref_slice %arg4[%arg0, %mul3A_2, %dma_wait3A_22] : memref<2x10240x32xf32, #tpu.memory_space<hbm>> -> memref<1x640x32xf32, #tpu.memory_space<hbm>>
      %dma_wait3A_24 = tpu.memref_squeeze %dma_wait3A_23 : memref<1x640x32xf32, #tpu.memory_space<hbm>> -> memref<640x32xf32, #tpu.memory_space<hbm>>
      tpu.wait_dma2 semaphore(%run_scoped3A : memref<!tpu.dma_semaphore, #tpu.memory_space<semaphore_mem>>) src(%dma_wait3A_24 : memref<640x32xf32, #tpu.memory_space<hbm>>) dst(%dma_wait3A_21 : memref<640x32xf32, #tpu.memory_space<vmem_shared>>)
      tpu.yield
    }) : () -> ()
    %mul3A_5 = arith.constant 20 : i32
    %mul3A_6 = arith.muli %add3A, %mul3A_5 : i32
    "tpu.region"() ({
      %run_scoped3A = tpu.sem_alloc : memref<!tpu.dma_semaphore, #tpu.memory_space<semaphore_mem>>
      %dma_start3A = arith.constant 0 : i32
      %dma_start3A_17 = tpu.memref_slice %arg3[%mul3A_6, %dma_start3A] : memref<640x125xi32, #tpu.memory_space<hbm>> -> memref<20x125xi32, #tpu.memory_space<hbm>>
      %dma_start3A_18 = arith.constant 0 : i32
      %dma_start3A_19 = tpu.memref_slice %arg3[%mul3A_6, %dma_start3A_18] : memref<640x125xi32, #tpu.memory_space<hbm>> -> memref<20x125xi32, #tpu.memory_space<hbm>>
      tpu.enqueue_dma source(%dma_start3A_19 : memref<20x125xi32, #tpu.memory_space<hbm>>) target(%arg6 : memref<20x125xi32, #tpu.memory_space<vmem>>) target_semaphore(%run_scoped3A : memref<!tpu.dma_semaphore, #tpu.memory_space<semaphore_mem>>)
      %dma_wait3A = arith.constant 0 : i32
      %dma_wait3A_20 = tpu.memref_slice %arg3[%mul3A_6, %dma_wait3A] : memref<640x125xi32, #tpu.memory_space<hbm>> -> memref<20x125xi32, #tpu.memory_space<hbm>>
      %dma_wait3A_21 = arith.constant 0 : i32
      %dma_wait3A_22 = tpu.memref_slice %arg3[%mul3A_6, %dma_wait3A_21] : memref<640x125xi32, #tpu.memory_space<hbm>> -> memref<20x125xi32, #tpu.memory_space<hbm>>
      tpu.wait_dma2 semaphore(%run_scoped3A : memref<!tpu.dma_semaphore, #tpu.memory_space<semaphore_mem>>) src(%dma_wait3A_22 : memref<20x125xi32, #tpu.memory_space<hbm>>) dst(%arg6 : memref<20x125xi32, #tpu.memory_space<vmem>>)
      tpu.yield
    }) : () -> ()
    %barrier3A = arith.constant 0 : index
    tpu.barrier barrier_id(%barrier3A)
    %scan3A = arith.constant 0 : i32
    %scan3A_7 = arith.constant 0 : i32
    %scan3A_8 = arith.constant 20 : i32
    %scan3A_9 = arith.addi %scan3A_7, %scan3A_8 : i32
    %scan3A_10 = arith.constant 1 : i32
    scf.for %scan3A_17 = %scan3A_7 to %scan3A_9 step %scan3A_10  : i32 {
      %mul3A_18 = arith.constant 20 : i32
      %mul3A_19 = arith.muli %add3A, %mul3A_18 : i32
      %mul3A_20 = arith.constant 125 : i32
      %mul3A_21 = arith.muli %mul3A_19, %mul3A_20 : i32
      %mul3A_22 = arith.constant 125 : i32
      %mul3A_23 = arith.muli %scan3A_17, %mul3A_22 : i32
      %add3A_24 = arith.addi %mul3A_21, %mul3A_23 : i32
      "tpu.region"() ({
        %run_scoped3A = tpu.sem_alloc : memref<!tpu.dma_semaphore, #tpu.memory_space<semaphore_mem>>
        %dma_start3A = arith.constant 0 : i32
        %dma_start3A_25 = tpu.memref_slice %arg2[%add3A_24, %dma_start3A] : memref<80000x32xf32, #tpu.memory_space<hbm>> -> memref<125x32xf32, #tpu.memory_space<hbm>>
        %dma_start3A_26 = arith.constant 0 : i32
        %dma_start3A_27 = tpu.memref_slice %arg2[%add3A_24, %dma_start3A_26] : memref<80000x32xf32, #tpu.memory_space<hbm>> -> memref<125x32xf32, #tpu.memory_space<hbm>>
        tpu.enqueue_dma source(%dma_start3A_27 : memref<125x32xf32, #tpu.memory_space<hbm>>) target(%arg7 : memref<125x32xf32, #tpu.memory_space<vmem>>) target_semaphore(%run_scoped3A : memref<!tpu.dma_semaphore, #tpu.memory_space<semaphore_mem>>)
        %dma_wait3A = arith.constant 0 : i32
        %dma_wait3A_28 = tpu.memref_slice %arg2[%add3A_24, %dma_wait3A] : memref<80000x32xf32, #tpu.memory_space<hbm>> -> memref<125x32xf32, #tpu.memory_space<hbm>>
        %dma_wait3A_29 = arith.constant 0 : i32
        %dma_wait3A_30 = tpu.memref_slice %arg2[%add3A_24, %dma_wait3A_29] : memref<80000x32xf32, #tpu.memory_space<hbm>> -> memref<125x32xf32, #tpu.memory_space<hbm>>
        tpu.wait_dma2 semaphore(%run_scoped3A : memref<!tpu.dma_semaphore, #tpu.memory_space<semaphore_mem>>) src(%dma_wait3A_30 : memref<125x32xf32, #tpu.memory_space<hbm>>) dst(%arg7 : memref<125x32xf32, #tpu.memory_space<vmem>>)
        tpu.yield
      }) : () -> ()
      "tpu.region"() ({
        %run_scoped3A = tpu.sem_alloc : memref<!tpu.dma_semaphore, #tpu.memory_space<semaphore_mem>>
        %dma_start3A = arith.constant 0 : i32
        %dma_start3A_25 = tpu.memref_slice %arg6[%scan3A_17, %dma_start3A] : memref<20x125xi32, #tpu.memory_space<vmem>> -> memref<1x125xi32, #tpu.memory_space<vmem>>
        %dma_start3A_26 = tpu.memref_squeeze %dma_start3A_25 : memref<1x125xi32, #tpu.memory_space<vmem>> -> memref<125xi32, #tpu.memory_space<vmem>>
        %dma_start3A_27 = arith.constant 0 : i32
        %dma_start3A_28 = arith.constant 0 : i32
        %dma_start3A_29 = tpu.memref_slice %arg8[%dma_start3A_27, %dma_start3A_28] : memref<10240x32xf32, #tpu.memory_space<vmem_shared>> -> memref<10240x32xf32, #tpu.memory_space<vmem_shared>>
        tpu.enqueue_indirect_dma source(%arg7 : memref<125x32xf32, #tpu.memory_space<vmem>>) target(%dma_start3A_29 : memref<10240x32xf32, #tpu.memory_space<vmem_shared>>) offsets(%dma_start3A_26 : memref<125xi32, #tpu.memory_space<vmem>>) semaphore(%run_scoped3A : memref<!tpu.dma_semaphore, #tpu.memory_space<semaphore_mem>>) {add = true}
        %dma_wait3A = arith.constant 0 : i32
        %dma_wait3A_30 = tpu.memref_slice %arg6[%scan3A_17, %dma_wait3A] : memref<20x125xi32, #tpu.memory_space<vmem>> -> memref<1x125xi32, #tpu.memory_space<vmem>>
        %dma_wait3A_31 = tpu.memref_squeeze %dma_wait3A_30 : memref<1x125xi32, #tpu.memory_space<vmem>> -> memref<125xi32, #tpu.memory_space<vmem>>
        %dma_wait3A_32 = arith.constant 0 : i32
        %dma_wait3A_33 = arith.constant 0 : i32
        %dma_wait3A_34 = tpu.memref_slice %arg8[%dma_wait3A_32, %dma_wait3A_33] : memref<10240x32xf32, #tpu.memory_space<vmem_shared>> -> memref<10240x32xf32, #tpu.memory_space<vmem_shared>>
        tpu.wait_indirect_dma semaphore(%run_scoped3A : memref<!tpu.dma_semaphore, #tpu.memory_space<semaphore_mem>>) src(%arg7 : memref<125x32xf32, #tpu.memory_space<vmem>>) dst(%dma_wait3A_34 : memref<10240x32xf32, #tpu.memory_space<vmem_shared>>)
        tpu.yield
      }) : () -> ()
    }
    %scan3A_11 = arith.constant 20 : i32
    %barrier3A_12 = arith.constant 0 : index
    tpu.barrier barrier_id(%barrier3A_12)
    %mul3A_13 = arith.constant 640 : i32
    %mul3A_14 = arith.muli %arg1, %mul3A_13 : i32
    %mul3A_15 = arith.constant 640 : i32
    %mul3A_16 = arith.muli %arg1, %mul3A_15 : i32
    "tpu.region"() ({
      %run_scoped3A = tpu.sem_alloc : memref<!tpu.dma_semaphore, #tpu.memory_space<semaphore_mem>>
      %dma_start3A = arith.constant 0 : i32
      %dma_start3A_17 = tpu.memref_slice %arg5[%arg0, %mul3A_16, %dma_start3A] : memref<2x10240x32xf32, #tpu.memory_space<hbm>> -> memref<1x640x32xf32, #tpu.memory_space<hbm>>
      %dma_start3A_18 = tpu.memref_squeeze %dma_start3A_17 : memref<1x640x32xf32, #tpu.memory_space<hbm>> -> memref<640x32xf32, #tpu.memory_space<hbm>>
      %dma_start3A_19 = arith.constant 0 : i32
      %dma_start3A_20 = tpu.memref_slice %arg8[%mul3A_14, %dma_start3A_19] : memref<10240x32xf32, #tpu.memory_space<vmem_shared>> -> memref<640x32xf32, #tpu.memory_space<vmem_shared>>
      tpu.enqueue_dma source(%dma_start3A_20 : memref<640x32xf32, #tpu.memory_space<vmem_shared>>) target(%dma_start3A_18 : memref<640x32xf32, #tpu.memory_space<hbm>>) target_semaphore(%run_scoped3A : memref<!tpu.dma_semaphore, #tpu.memory_space<semaphore_mem>>)
      %dma_wait3A = arith.constant 0 : i32
      %dma_wait3A_21 = tpu.memref_slice %arg5[%arg0, %mul3A_16, %dma_wait3A] : memref<2x10240x32xf32, #tpu.memory_space<hbm>> -> memref<1x640x32xf32, #tpu.memory_space<hbm>>
      %dma_wait3A_22 = tpu.memref_squeeze %dma_wait3A_21 : memref<1x640x32xf32, #tpu.memory_space<hbm>> -> memref<640x32xf32, #tpu.memory_space<hbm>>
      %dma_wait3A_23 = arith.constant 0 : i32
      %dma_wait3A_24 = tpu.memref_slice %arg8[%mul3A_14, %dma_wait3A_23] : memref<10240x32xf32, #tpu.memory_space<vmem_shared>> -> memref<640x32xf32, #tpu.memory_space<vmem_shared>>
      tpu.wait_dma2 semaphore(%run_scoped3A : memref<!tpu.dma_semaphore, #tpu.memory_space<semaphore_mem>>) src(%dma_wait3A_24 : memref<640x32xf32, #tpu.memory_space<vmem_shared>>) dst(%dma_wait3A_22 : memref<640x32xf32, #tpu.memory_space<hbm>>)
      tpu.yield
    }) : () -> ()
    return
  }
}

#map = affine_map<(d0, d1) -> (0, 0)>
module attributes {stable_mosaic.version = 14 : i64} {
  func.func @_gather_body(%arg0: i32, %arg1: i32, %arg2: memref<10000x128xf32, #tpu.memory_space<hbm>>, %arg3: memref<1280x125xi32, #tpu.memory_space<hbm>>, %arg4: memref<160000x128xf32, #tpu.memory_space<hbm>>, %arg5: memref<40x125xi32, #tpu.memory_space<vmem>>, %arg6: memref<125x128xf32, #tpu.memory_space<vmem>>, %arg7: memref<!tpu.dma_semaphore, #tpu.memory_space<semaphore_mem>>) attributes {dimension_semantics = [#tpu.dimension_semantics<core_parallel>, #tpu.dimension_semantics<subcore_parallel>], iteration_bounds = array<i64: 2, 16>, scalar_prefetch = 0 : i64, scratch_operands = 3 : i64, tpu.core_type = #tpu.core_type<sc_vector_subcore>, window_params = [{transform_indices = #map}, {transform_indices = #map}, {transform_indices = #map}]} {
    %mul3A = arith.constant 2 : i32
    %mul3A_0 = arith.muli %arg1, %mul3A : i32
    %add3A = arith.addi %mul3A_0, %arg0 : i32
    %mul3A_1 = arith.constant 40 : i32
    %mul3A_2 = arith.muli %add3A, %mul3A_1 : i32
    "tpu.region"() ({
      %run_scoped3A = tpu.sem_alloc : memref<!tpu.dma_semaphore, #tpu.memory_space<semaphore_mem>>
      %dma_start3A = arith.constant 0 : i32
      %dma_start3A_8 = tpu.memref_slice %arg3[%mul3A_2, %dma_start3A] : memref<1280x125xi32, #tpu.memory_space<hbm>> -> memref<40x125xi32, #tpu.memory_space<hbm>>
      %dma_start3A_9 = arith.constant 0 : i32
      %dma_start3A_10 = tpu.memref_slice %arg3[%mul3A_2, %dma_start3A_9] : memref<1280x125xi32, #tpu.memory_space<hbm>> -> memref<40x125xi32, #tpu.memory_space<hbm>>
      tpu.enqueue_dma source(%dma_start3A_10 : memref<40x125xi32, #tpu.memory_space<hbm>>) target(%arg5 : memref<40x125xi32, #tpu.memory_space<vmem>>) target_semaphore(%run_scoped3A : memref<!tpu.dma_semaphore, #tpu.memory_space<semaphore_mem>>)
      %dma_wait3A = arith.constant 0 : i32
      %dma_wait3A_11 = tpu.memref_slice %arg3[%mul3A_2, %dma_wait3A] : memref<1280x125xi32, #tpu.memory_space<hbm>> -> memref<40x125xi32, #tpu.memory_space<hbm>>
      %dma_wait3A_12 = arith.constant 0 : i32
      %dma_wait3A_13 = tpu.memref_slice %arg3[%mul3A_2, %dma_wait3A_12] : memref<1280x125xi32, #tpu.memory_space<hbm>> -> memref<40x125xi32, #tpu.memory_space<hbm>>
      tpu.wait_dma2 semaphore(%run_scoped3A : memref<!tpu.dma_semaphore, #tpu.memory_space<semaphore_mem>>) src(%dma_wait3A_13 : memref<40x125xi32, #tpu.memory_space<hbm>>) dst(%arg5 : memref<40x125xi32, #tpu.memory_space<vmem>>)
      tpu.yield
    }) : () -> ()
    %scan3A = arith.constant 0 : i32
    %scan3A_3 = arith.constant 0 : i32
    %scan3A_4 = arith.constant 40 : i32
    %scan3A_5 = arith.addi %scan3A_3, %scan3A_4 : i32
    %scan3A_6 = arith.constant 1 : i32
    scf.for %scan3A_8 = %scan3A_3 to %scan3A_5 step %scan3A_6  : i32 {
      %dma_start3A = arith.constant 0 : i32
      %dma_start3A_9 = tpu.memref_slice %arg5[%scan3A_8, %dma_start3A] : memref<40x125xi32, #tpu.memory_space<vmem>> -> memref<1x125xi32, #tpu.memory_space<vmem>>
      %dma_start3A_10 = tpu.memref_squeeze %dma_start3A_9 : memref<1x125xi32, #tpu.memory_space<vmem>> -> memref<125xi32, #tpu.memory_space<vmem>>
      %dma_start3A_11 = arith.constant 0 : i32
      %dma_start3A_12 = arith.constant 0 : i32
      %dma_start3A_13 = tpu.memref_slice %arg2[%dma_start3A_11, %dma_start3A_12] : memref<10000x128xf32, #tpu.memory_space<hbm>> -> memref<10000x128xf32, #tpu.memory_space<hbm>>
      tpu.enqueue_indirect_dma source(%dma_start3A_13 : memref<10000x128xf32, #tpu.memory_space<hbm>>) target(%arg6 : memref<125x128xf32, #tpu.memory_space<vmem>>) offsets(%dma_start3A_10 : memref<125xi32, #tpu.memory_space<vmem>>) semaphore(%arg7 : memref<!tpu.dma_semaphore, #tpu.memory_space<semaphore_mem>>)
      %dma_wait3A = arith.constant 0 : i32
      %dma_wait3A_14 = tpu.memref_slice %arg5[%scan3A_8, %dma_wait3A] : memref<40x125xi32, #tpu.memory_space<vmem>> -> memref<1x125xi32, #tpu.memory_space<vmem>>
      %dma_wait3A_15 = tpu.memref_squeeze %dma_wait3A_14 : memref<1x125xi32, #tpu.memory_space<vmem>> -> memref<125xi32, #tpu.memory_space<vmem>>
      %dma_wait3A_16 = arith.constant 0 : i32
      %dma_wait3A_17 = arith.constant 0 : i32
      %dma_wait3A_18 = tpu.memref_slice %arg2[%dma_wait3A_16, %dma_wait3A_17] : memref<10000x128xf32, #tpu.memory_space<hbm>> -> memref<10000x128xf32, #tpu.memory_space<hbm>>
      tpu.wait_indirect_dma semaphore(%arg7 : memref<!tpu.dma_semaphore, #tpu.memory_space<semaphore_mem>>) src(%dma_wait3A_18 : memref<10000x128xf32, #tpu.memory_space<hbm>>) dst(%arg6 : memref<125x128xf32, #tpu.memory_space<vmem>>)
      %mul3A_19 = arith.constant 40 : i32
      %mul3A_20 = arith.muli %add3A, %mul3A_19 : i32
      %mul3A_21 = arith.constant 125 : i32
      %mul3A_22 = arith.muli %mul3A_20, %mul3A_21 : i32
      %mul3A_23 = arith.constant 125 : i32
      %mul3A_24 = arith.muli %scan3A_8, %mul3A_23 : i32
      %add3A_25 = arith.addi %mul3A_22, %mul3A_24 : i32
      "tpu.region"() ({
        %run_scoped3A = tpu.sem_alloc : memref<!tpu.dma_semaphore, #tpu.memory_space<semaphore_mem>>
        %dma_start3A_26 = arith.constant 0 : i32
        %dma_start3A_27 = tpu.memref_slice %arg4[%add3A_25, %dma_start3A_26] : memref<160000x128xf32, #tpu.memory_space<hbm>> -> memref<125x128xf32, #tpu.memory_space<hbm>>
        %dma_start3A_28 = arith.constant 0 : i32
        %dma_start3A_29 = tpu.memref_slice %arg4[%add3A_25, %dma_start3A_28] : memref<160000x128xf32, #tpu.memory_space<hbm>> -> memref<125x128xf32, #tpu.memory_space<hbm>>
        tpu.enqueue_dma source(%arg6 : memref<125x128xf32, #tpu.memory_space<vmem>>) target(%dma_start3A_29 : memref<125x128xf32, #tpu.memory_space<hbm>>) target_semaphore(%run_scoped3A : memref<!tpu.dma_semaphore, #tpu.memory_space<semaphore_mem>>)
        %dma_wait3A_30 = arith.constant 0 : i32
        %dma_wait3A_31 = tpu.memref_slice %arg4[%add3A_25, %dma_wait3A_30] : memref<160000x128xf32, #tpu.memory_space<hbm>> -> memref<125x128xf32, #tpu.memory_space<hbm>>
        %dma_wait3A_32 = arith.constant 0 : i32
        %dma_wait3A_33 = tpu.memref_slice %arg4[%add3A_25, %dma_wait3A_32] : memref<160000x128xf32, #tpu.memory_space<hbm>> -> memref<125x128xf32, #tpu.memory_space<hbm>>
        tpu.wait_dma2 semaphore(%run_scoped3A : memref<!tpu.dma_semaphore, #tpu.memory_space<semaphore_mem>>) src(%arg6 : memref<125x128xf32, #tpu.memory_space<vmem>>) dst(%dma_wait3A_33 : memref<125x128xf32, #tpu.memory_space<hbm>>)
        tpu.yield
      }) : () -> ()
    }
    %scan3A_7 = arith.constant 40 : i32
    return
  }
}

#map = affine_map<(d0, d1) -> (0, 0)>
#map1 = affine_map<(d0, d1) -> (0, 0, 0)>
module attributes {stable_mosaic.version = 14 : i64} {
  func.func @_scatter_body(%arg0: i32, %arg1: i32, %arg2: memref<80000x32xf32, #tpu.memory_space<hbm>>, %arg3: memref<640x125xi32, #tpu.memory_space<hbm>>, %arg4: memref<2x10240x32xf32, #tpu.memory_space<hbm>>, %arg5: memref<2x10240x32xf32, #tpu.memory_space<hbm>>, %arg6: memref<20x125xi32, #tpu.memory_space<vmem>>, %arg7: memref<125x32xf32, #tpu.memory_space<vmem>>, %arg8: memref<10240x32xf32, #tpu.memory_space<vmem_shared>>, %arg9: memref<!tpu.dma_semaphore, #tpu.memory_space<semaphore_mem>>) attributes {dimension_semantics = [#tpu.dimension_semantics<core_parallel>, #tpu.dimension_semantics<subcore_parallel>], iteration_bounds = array<i64: 2, 16>, scalar_prefetch = 0 : i64, scratch_operands = 4 : i64, tpu.core_type = #tpu.core_type<sc_vector_subcore>, window_params = [{transform_indices = #map}, {transform_indices = #map}, {transform_indices = #map1}, {transform_indices = #map1}]} {
    %mul3A = arith.constant 2 : i32
    %mul3A_0 = arith.muli %arg1, %mul3A : i32
    %add3A = arith.addi %mul3A_0, %arg0 : i32
    %mul3A_1 = arith.constant 640 : i32
    %mul3A_2 = arith.muli %arg1, %mul3A_1 : i32
    %mul3A_3 = arith.constant 640 : i32
    %mul3A_4 = arith.muli %arg1, %mul3A_3 : i32
    "tpu.region"() ({
      %run_scoped3A = tpu.sem_alloc : memref<!tpu.dma_semaphore, #tpu.memory_space<semaphore_mem>>
      %dma_start3A = arith.constant 0 : i32
      %dma_start3A_17 = tpu.memref_slice %arg8[%mul3A_4, %dma_start3A] : memref<10240x32xf32, #tpu.memory_space<vmem_shared>> -> memref<640x32xf32, #tpu.memory_space<vmem_shared>>
      %dma_start3A_18 = arith.constant 0 : i32
      %dma_start3A_19 = tpu.memref_slice %arg4[%arg0, %mul3A_2, %dma_start3A_18] : memref<2x10240x32xf32, #tpu.memory_space<hbm>> -> memref<1x640x32xf32, #tpu.memory_space<hbm>>
      %dma_start3A_20 = tpu.memref_squeeze %dma_start3A_19 : memref<1x640x32xf32, #tpu.memory_space<hbm>> -> memref<640x32xf32, #tpu.memory_space<hbm>>
      tpu.enqueue_dma source(%dma_start3A_20 : memref<640x32xf32, #tpu.memory_space<hbm>>) target(%dma_start3A_17 : memref<640x32xf32, #tpu.memory_space<vmem_shared>>) target_semaphore(%run_scoped3A : memref<!tpu.dma_semaphore, #tpu.memory_space<semaphore_mem>>)
      %dma_wait3A = arith.constant 0 : i32
      %dma_wait3A_21 = tpu.memref_slice %arg8[%mul3A_4, %dma_wait3A] : memref<10240x32xf32, #tpu.memory_space<vmem_shared>> -> memref<640x32xf32, #tpu.memory_space<vmem_shared>>
      %dma_wait3A_22 = arith.constant 0 : i32
      %dma_wait3A_23 = tpu.memref_slice %arg4[%arg0, %mul3A_2, %dma_wait3A_22] : memref<2x10240x32xf32, #tpu.memory_space<hbm>> -> memref<1x640x32xf32, #tpu.memory_space<hbm>>
      %dma_wait3A_24 = tpu.memref_squeeze %dma_wait3A_23 : memref<1x640x32xf32, #tpu.memory_space<hbm>> -> memref<640x32xf32, #tpu.memory_space<hbm>>
      tpu.wait_dma2 semaphore(%run_scoped3A : memref<!tpu.dma_semaphore, #tpu.memory_space<semaphore_mem>>) src(%dma_wait3A_24 : memref<640x32xf32, #tpu.memory_space<hbm>>) dst(%dma_wait3A_21 : memref<640x32xf32, #tpu.memory_space<vmem_shared>>)
      tpu.yield
    }) : () -> ()
    %mul3A_5 = arith.constant 20 : i32
    %mul3A_6 = arith.muli %add3A, %mul3A_5 : i32
    "tpu.region"() ({
      %run_scoped3A = tpu.sem_alloc : memref<!tpu.dma_semaphore, #tpu.memory_space<semaphore_mem>>
      %dma_start3A = arith.constant 0 : i32
      %dma_start3A_17 = tpu.memref_slice %arg3[%mul3A_6, %dma_start3A] : memref<640x125xi32, #tpu.memory_space<hbm>> -> memref<20x125xi32, #tpu.memory_space<hbm>>
      %dma_start3A_18 = arith.constant 0 : i32
      %dma_start3A_19 = tpu.memref_slice %arg3[%mul3A_6, %dma_start3A_18] : memref<640x125xi32, #tpu.memory_space<hbm>> -> memref<20x125xi32, #tpu.memory_space<hbm>>
      tpu.enqueue_dma source(%dma_start3A_19 : memref<20x125xi32, #tpu.memory_space<hbm>>) target(%arg6 : memref<20x125xi32, #tpu.memory_space<vmem>>) target_semaphore(%run_scoped3A : memref<!tpu.dma_semaphore, #tpu.memory_space<semaphore_mem>>)
      %dma_wait3A = arith.constant 0 : i32
      %dma_wait3A_20 = tpu.memref_slice %arg3[%mul3A_6, %dma_wait3A] : memref<640x125xi32, #tpu.memory_space<hbm>> -> memref<20x125xi32, #tpu.memory_space<hbm>>
      %dma_wait3A_21 = arith.constant 0 : i32
      %dma_wait3A_22 = tpu.memref_slice %arg3[%mul3A_6, %dma_wait3A_21] : memref<640x125xi32, #tpu.memory_space<hbm>> -> memref<20x125xi32, #tpu.memory_space<hbm>>
      tpu.wait_dma2 semaphore(%run_scoped3A : memref<!tpu.dma_semaphore, #tpu.memory_space<semaphore_mem>>) src(%dma_wait3A_22 : memref<20x125xi32, #tpu.memory_space<hbm>>) dst(%arg6 : memref<20x125xi32, #tpu.memory_space<vmem>>)
      tpu.yield
    }) : () -> ()
    %barrier3A = arith.constant 0 : index
    tpu.barrier barrier_id(%barrier3A)
    %scan3A = arith.constant 0 : i32
    %scan3A_7 = arith.constant 0 : i32
    %scan3A_8 = arith.constant 20 : i32
    %scan3A_9 = arith.addi %scan3A_7, %scan3A_8 : i32
    %scan3A_10 = arith.constant 1 : i32
    scf.for %scan3A_17 = %scan3A_7 to %scan3A_9 step %scan3A_10  : i32 {
      %mul3A_18 = arith.constant 20 : i32
      %mul3A_19 = arith.muli %add3A, %mul3A_18 : i32
      %mul3A_20 = arith.constant 125 : i32
      %mul3A_21 = arith.muli %mul3A_19, %mul3A_20 : i32
      %mul3A_22 = arith.constant 125 : i32
      %mul3A_23 = arith.muli %scan3A_17, %mul3A_22 : i32
      %add3A_24 = arith.addi %mul3A_21, %mul3A_23 : i32
      "tpu.region"() ({
        %run_scoped3A = tpu.sem_alloc : memref<!tpu.dma_semaphore, #tpu.memory_space<semaphore_mem>>
        %dma_start3A = arith.constant 0 : i32
        %dma_start3A_25 = tpu.memref_slice %arg2[%add3A_24, %dma_start3A] : memref<80000x32xf32, #tpu.memory_space<hbm>> -> memref<125x32xf32, #tpu.memory_space<hbm>>
        %dma_start3A_26 = arith.constant 0 : i32
        %dma_start3A_27 = tpu.memref_slice %arg2[%add3A_24, %dma_start3A_26] : memref<80000x32xf32, #tpu.memory_space<hbm>> -> memref<125x32xf32, #tpu.memory_space<hbm>>
        tpu.enqueue_dma source(%dma_start3A_27 : memref<125x32xf32, #tpu.memory_space<hbm>>) target(%arg7 : memref<125x32xf32, #tpu.memory_space<vmem>>) target_semaphore(%run_scoped3A : memref<!tpu.dma_semaphore, #tpu.memory_space<semaphore_mem>>)
        %dma_wait3A = arith.constant 0 : i32
        %dma_wait3A_28 = tpu.memref_slice %arg2[%add3A_24, %dma_wait3A] : memref<80000x32xf32, #tpu.memory_space<hbm>> -> memref<125x32xf32, #tpu.memory_space<hbm>>
        %dma_wait3A_29 = arith.constant 0 : i32
        %dma_wait3A_30 = tpu.memref_slice %arg2[%add3A_24, %dma_wait3A_29] : memref<80000x32xf32, #tpu.memory_space<hbm>> -> memref<125x32xf32, #tpu.memory_space<hbm>>
        tpu.wait_dma2 semaphore(%run_scoped3A : memref<!tpu.dma_semaphore, #tpu.memory_space<semaphore_mem>>) src(%dma_wait3A_30 : memref<125x32xf32, #tpu.memory_space<hbm>>) dst(%arg7 : memref<125x32xf32, #tpu.memory_space<vmem>>)
        tpu.yield
      }) : () -> ()
      "tpu.region"() ({
        %run_scoped3A = tpu.sem_alloc : memref<!tpu.dma_semaphore, #tpu.memory_space<semaphore_mem>>
        %dma_start3A = arith.constant 0 : i32
        %dma_start3A_25 = tpu.memref_slice %arg6[%scan3A_17, %dma_start3A] : memref<20x125xi32, #tpu.memory_space<vmem>> -> memref<1x125xi32, #tpu.memory_space<vmem>>
        %dma_start3A_26 = tpu.memref_squeeze %dma_start3A_25 : memref<1x125xi32, #tpu.memory_space<vmem>> -> memref<125xi32, #tpu.memory_space<vmem>>
        %dma_start3A_27 = arith.constant 0 : i32
        %dma_start3A_28 = arith.constant 0 : i32
        %dma_start3A_29 = tpu.memref_slice %arg8[%dma_start3A_27, %dma_start3A_28] : memref<10240x32xf32, #tpu.memory_space<vmem_shared>> -> memref<10240x32xf32, #tpu.memory_space<vmem_shared>>
        tpu.enqueue_indirect_dma source(%arg7 : memref<125x32xf32, #tpu.memory_space<vmem>>) target(%dma_start3A_29 : memref<10240x32xf32, #tpu.memory_space<vmem_shared>>) offsets(%dma_start3A_26 : memref<125xi32, #tpu.memory_space<vmem>>) semaphore(%run_scoped3A : memref<!tpu.dma_semaphore, #tpu.memory_space<semaphore_mem>>) {add = true}
        %dma_wait3A = arith.constant 0 : i32
        %dma_wait3A_30 = tpu.memref_slice %arg6[%scan3A_17, %dma_wait3A] : memref<20x125xi32, #tpu.memory_space<vmem>> -> memref<1x125xi32, #tpu.memory_space<vmem>>
        %dma_wait3A_31 = tpu.memref_squeeze %dma_wait3A_30 : memref<1x125xi32, #tpu.memory_space<vmem>> -> memref<125xi32, #tpu.memory_space<vmem>>
        %dma_wait3A_32 = arith.constant 0 : i32
        %dma_wait3A_33 = arith.constant 0 : i32
        %dma_wait3A_34 = tpu.memref_slice %arg8[%dma_wait3A_32, %dma_wait3A_33] : memref<10240x32xf32, #tpu.memory_space<vmem_shared>> -> memref<10240x32xf32, #tpu.memory_space<vmem_shared>>
        tpu.wait_indirect_dma semaphore(%run_scoped3A : memref<!tpu.dma_semaphore, #tpu.memory_space<semaphore_mem>>) src(%arg7 : memref<125x32xf32, #tpu.memory_space<vmem>>) dst(%dma_wait3A_34 : memref<10240x32xf32, #tpu.memory_space<vmem_shared>>)
        tpu.yield
      }) : () -> ()
    }
    %scan3A_11 = arith.constant 20 : i32
    %barrier3A_12 = arith.constant 0 : index
    tpu.barrier barrier_id(%barrier3A_12)
    %mul3A_13 = arith.constant 640 : i32
    %mul3A_14 = arith.muli %arg1, %mul3A_13 : i32
    %mul3A_15 = arith.constant 640 : i32
    %mul3A_16 = arith.muli %arg1, %mul3A_15 : i32
    "tpu.region"() ({
      %run_scoped3A = tpu.sem_alloc : memref<!tpu.dma_semaphore, #tpu.memory_space<semaphore_mem>>
      %dma_start3A = arith.constant 0 : i32
      %dma_start3A_17 = tpu.memref_slice %arg5[%arg0, %mul3A_16, %dma_start3A] : memref<2x10240x32xf32, #tpu.memory_space<hbm>> -> memref<1x640x32xf32, #tpu.memory_space<hbm>>
      %dma_start3A_18 = tpu.memref_squeeze %dma_start3A_17 : memref<1x640x32xf32, #tpu.memory_space<hbm>> -> memref<640x32xf32, #tpu.memory_space<hbm>>
      %dma_start3A_19 = arith.constant 0 : i32
      %dma_start3A_20 = tpu.memref_slice %arg8[%mul3A_14, %dma_start3A_19] : memref<10240x32xf32, #tpu.memory_space<vmem_shared>> -> memref<640x32xf32, #tpu.memory_space<vmem_shared>>
      tpu.enqueue_dma source(%dma_start3A_20 : memref<640x32xf32, #tpu.memory_space<vmem_shared>>) target(%dma_start3A_18 : memref<640x32xf32, #tpu.memory_space<hbm>>) target_semaphore(%run_scoped3A : memref<!tpu.dma_semaphore, #tpu.memory_space<semaphore_mem>>)
      %dma_wait3A = arith.constant 0 : i32
      %dma_wait3A_21 = tpu.memref_slice %arg5[%arg0, %mul3A_16, %dma_wait3A] : memref<2x10240x32xf32, #tpu.memory_space<hbm>> -> memref<1x640x32xf32, #tpu.memory_space<hbm>>
      %dma_wait3A_22 = tpu.memref_squeeze %dma_wait3A_21 : memref<1x640x32xf32, #tpu.memory_space<hbm>> -> memref<640x32xf32, #tpu.memory_space<hbm>>
      %dma_wait3A_23 = arith.constant 0 : i32
      %dma_wait3A_24 = tpu.memref_slice %arg8[%mul3A_14, %dma_wait3A_23] : memref<10240x32xf32, #tpu.memory_space<vmem_shared>> -> memref<640x32xf32, #tpu.memory_space<vmem_shared>>
      tpu.wait_dma2 semaphore(%run_scoped3A : memref<!tpu.dma_semaphore, #tpu.memory_space<semaphore_mem>>) src(%dma_wait3A_24 : memref<640x32xf32, #tpu.memory_space<vmem_shared>>) dst(%dma_wait3A_22 : memref<640x32xf32, #tpu.memory_space<hbm>>)
      tpu.yield
    }) : () -> ()
    return
  }
}

module attributes {stable_mosaic.version = 14 : i64} {
  func.func @_stats_body(%arg0: i32, %arg1: memref<16x6400xf32, #tpu.memory_space<vmem>>, %arg2: memref<400x128xf32, #tpu.memory_space<vmem>>, %arg3: memref<128x32xf32, #tpu.memory_space<vmem>>, %arg4: memref<1x32xf32, #tpu.memory_space<vmem>>, %arg5: memref<17x17xf32, #tpu.memory_space<vmem>>, %arg6: memref<400x32xf32, #tpu.memory_space<vmem>>) attributes {dimension_semantics = [#tpu.dimension_semantics<arbitrary>], iteration_bounds = array<i64: 25>, scalar_prefetch = 0 : i64, scratch_operands = 0 : i64, tpu.core_type = #tpu.core_type<tc>, window_params = [{transform_indices = @transform_0, window_bounds = array<i64: 16, 6400>}, {transform_indices = @transform_1, window_bounds = array<i64: 400, 128>}, {pipeline_mode = #tpu.pipeline_mode<synchronous>, transform_indices = @transform_2, window_bounds = array<i64: 128, 32>}, {pipeline_mode = #tpu.pipeline_mode<synchronous>, transform_indices = @transform_3, window_bounds = array<i64: 1, 32>}, {pipeline_mode = #tpu.pipeline_mode<synchronous>, transform_indices = @transform_4, window_bounds = array<i64: 17, 17>}, {transform_indices = @transform_5, window_bounds = array<i64: 400, 32>}]} {
    %get3A = arith.constant 0 : index
    %get3A_0 = arith.constant 0 : index
    %get3A_1 = vector.load %arg1[%get3A, %get3A_0] : memref<16x6400xf32, #tpu.memory_space<vmem>>, vector<16x6400xf32>
    %broadcast_in_dim3A = arith.constant 1.000000e+00 : f32
    %broadcast_in_dim3A_2 = vector.broadcast %broadcast_in_dim3A : f32 to vector<1x6400xf32>
    %concatenate3A = tpu.concatenate %get3A_1, %broadcast_in_dim3A_2 in 0 : vector<16x6400xf32>, vector<1x6400xf32> -> vector<17x6400xf32>
    %dot_general3A = arith.constant dense<0.000000e+00> : vector<17x17xf32>
    %dot_general3A_3 = tpu.matmul %concatenate3A, %concatenate3A, %dot_general3A {dimension_numbers = #tpu.dot_dimension_numbers<[1], [1], [0], [0], [0, 0, 1, 0], [], []>, transpose_lhs_hint = false} : vector<17x6400xf32>, vector<17x6400xf32>, vector<17x17xf32> -> vector<17x17xf32>
    %eq3A = arith.constant 0 : i32
    %eq3A_4 = arith.cmpi eq, %arg0, %eq3A : i32
    %convert_element_type3A = arith.extui %eq3A_4 : i1 to i32
    %cond3A = arith.constant 0 : i32
    %cond3A_5 = arith.cmpi ne, %convert_element_type3A, %cond3A : i32
    scf.if %cond3A_5 {
      %swap3A_24 = arith.constant 0 : index
      %swap3A_25 = arith.constant 0 : index
      %swap3A_26 = vector.load %arg5[%swap3A_24, %swap3A_25] : memref<17x17xf32, #tpu.memory_space<vmem>>, vector<17x17xf32>
      tpu.vector_store %arg5[%swap3A_24, %swap3A_25], %dot_general3A_3 {strides = array<i32>} : memref<17x17xf32, #tpu.memory_space<vmem>>, vector<17x17xf32>,
    } else {
    }
    %gt3A = arith.constant 0 : i32
    %gt3A_6 = arith.cmpi sgt, %arg0, %gt3A : i32
    %convert_element_type3A_7 = arith.extui %gt3A_6 : i1 to i32
    %cond3A_8 = arith.constant 0 : i32
    %cond3A_9 = arith.cmpi ne, %convert_element_type3A_7, %cond3A_8 : i32
    scf.if %cond3A_9 {
      %get3A_24 = arith.constant 0 : index
      %get3A_25 = arith.constant 0 : index
      %get3A_26 = vector.load %arg5[%get3A_24, %get3A_25] : memref<17x17xf32, #tpu.memory_space<vmem>>, vector<17x17xf32>
      %add3A_27 = arith.addf %get3A_26, %dot_general3A_3 : vector<17x17xf32>
      %swap3A_28 = arith.constant 0 : index
      %swap3A_29 = arith.constant 0 : index
      %swap3A_30 = vector.load %arg5[%swap3A_28, %swap3A_29] : memref<17x17xf32, #tpu.memory_space<vmem>>, vector<17x17xf32>
      tpu.vector_store %arg5[%swap3A_28, %swap3A_29], %add3A_27 {strides = array<i32>} : memref<17x17xf32, #tpu.memory_space<vmem>>, vector<17x17xf32>,
    } else {
    }
    %get3A_10 = arith.constant 0 : index
    %get3A_11 = arith.constant 0 : index
    %get3A_12 = vector.load %arg2[%get3A_10, %get3A_11] : memref<400x128xf32, #tpu.memory_space<vmem>>, vector<400x128xf32>
    %get3A_13 = arith.constant 0 : index
    %get3A_14 = arith.constant 0 : index
    %get3A_15 = vector.load %arg3[%get3A_13, %get3A_14] : memref<128x32xf32, #tpu.memory_space<vmem>>, vector<128x32xf32>
    %dot_general3A_16 = arith.constant dense<0.000000e+00> : vector<400x32xf32>
    %dot_general3A_17 = tpu.matmul %get3A_12, %get3A_15, %dot_general3A_16 {dimension_numbers = #tpu.dot_dimension_numbers<[1], [0], [0], [1], [0, 0, 1, 1], [], []>, transpose_lhs_hint = false} : vector<400x128xf32>, vector<128x32xf32>, vector<400x32xf32> -> vector<400x32xf32>
    %get3A_18 = arith.constant 0 : index
    %get3A_19 = arith.constant 0 : index
    %get3A_20 = vector.load %arg4[%get3A_18, %get3A_19] : memref<1x32xf32, #tpu.memory_space<vmem>>, vector<1x32xf32>
    %add3A = vector.broadcast %get3A_20 : vector<1x32xf32> to vector<400x32xf32>
    %add3A_21 = arith.addf %dot_general3A_17, %add3A : vector<400x32xf32>
    %swap3A = arith.constant 0 : index
    %swap3A_22 = arith.constant 0 : index
    %swap3A_23 = vector.load %arg6[%swap3A, %swap3A_22] : memref<400x32xf32, #tpu.memory_space<vmem>>, vector<400x32xf32>
    tpu.vector_store %arg6[%swap3A, %swap3A_22], %add3A_21 {strides = array<i32>} : memref<400x32xf32, #tpu.memory_space<vmem>>, vector<400x32xf32>,
    return
  }
  func.func @transform_0(%arg0: i32) -> (i32, i32) {
    %c0_i32 = arith.constant 0 : i32
    %c0_i32_0 = arith.constant 0 : i32
    return %c0_i32, %arg0 : i32, i32
  }
  func.func @transform_1(%arg0: i32) -> (i32, i32) {
    %c0_i32 = arith.constant 0 : i32
    %c0_i32_0 = arith.constant 0 : i32
    return %arg0, %c0_i32 : i32, i32
  }
  func.func @transform_2(%arg0: i32) -> (i32, i32) {
    %c0_i32 = arith.constant 0 : i32
    %c0_i32_0 = arith.constant 0 : i32
    %c0_i32_1 = arith.constant 0 : i32
    return %c0_i32, %c0_i32_0 : i32, i32
  }
  func.func @transform_3(%arg0: i32) -> (i32, i32) {
    %c0_i32 = arith.constant 0 : i32
    %c0_i32_0 = arith.constant 0 : i32
    %c0_i32_1 = arith.constant 0 : i32
    return %c0_i32, %c0_i32_0 : i32, i32
  }
  func.func @transform_4(%arg0: i32) -> (i32, i32) {
    %c0_i32 = arith.constant 0 : i32
    %c0_i32_0 = arith.constant 0 : i32
    %c0_i32_1 = arith.constant 0 : i32
    return %c0_i32, %c0_i32_0 : i32, i32
  }
  func.func @transform_5(%arg0: i32) -> (i32, i32) {
    %c0_i32 = arith.constant 0 : i32
    %c0_i32_0 = arith.constant 0 : i32
    return %arg0, %c0_i32 : i32, i32
  }
}

module attributes {stable_mosaic.version = 14 : i64} {
  func.func @_msg_body(%arg0: i32, %arg1: memref<16x3200xf32, #tpu.memory_space<vmem>>, %arg2: memref<3200x128xf32, #tpu.memory_space<vmem>>, %arg3: memref<16x64xf32, #tpu.memory_space<vmem>>, %arg4: memref<1x64xf32, #tpu.memory_space<vmem>>, %arg5: memref<1x64xf32, #tpu.memory_space<vmem>>, %arg6: memref<128x1280xbf16, #tpu.memory_space<vmem>>, %arg7: memref<1280x32xbf16, #tpu.memory_space<vmem>>, %arg8: memref<128x32xbf16, #tpu.memory_space<vmem>>, %arg9: memref<3200x32xf32, #tpu.memory_space<vmem>>) attributes {dimension_semantics = [#tpu.dimension_semantics<arbitrary>], iteration_bounds = array<i64: 25>, scalar_prefetch = 0 : i64, scratch_operands = 0 : i64, tpu.core_type = #tpu.core_type<tc>, window_params = [{transform_indices = @transform_0, window_bounds = array<i64: 16, 3200>}, {transform_indices = @transform_1, window_bounds = array<i64: 3200, 128>}, {pipeline_mode = #tpu.pipeline_mode<synchronous>, transform_indices = @transform_2, window_bounds = array<i64: 16, 64>}, {pipeline_mode = #tpu.pipeline_mode<synchronous>, transform_indices = @transform_3, window_bounds = array<i64: 1, 64>}, {pipeline_mode = #tpu.pipeline_mode<synchronous>, transform_indices = @transform_4, window_bounds = array<i64: 1, 64>}, {pipeline_mode = #tpu.pipeline_mode<synchronous>, transform_indices = @transform_5, window_bounds = array<i64: 128, 1280>}, {pipeline_mode = #tpu.pipeline_mode<synchronous>, transform_indices = @transform_6, window_bounds = array<i64: 1280, 32>}, {pipeline_mode = #tpu.pipeline_mode<synchronous>, transform_indices = @transform_7, window_bounds = array<i64: 128, 32>}, {transform_indices = @transform_8, window_bounds = array<i64: 3200, 32>}]} {
    %get3A = arith.constant 0 : index
    %get3A_0 = arith.constant 0 : index
    %get3A_1 = vector.load %arg1[%get3A, %get3A_0] : memref<16x3200xf32, #tpu.memory_space<vmem>>, vector<16x3200xf32>
    %get3A_2 = arith.constant 0 : index
    %get3A_3 = arith.constant 0 : index
    %get3A_4 = vector.load %arg2[%get3A_2, %get3A_3] : memref<3200x128xf32, #tpu.memory_space<vmem>>, vector<3200x128xf32>
    %convert_element_type3A = arith.truncf %get3A_4 : vector<3200x128xf32> to vector<3200x128xbf16>
    %get3A_5 = arith.constant 0 : index
    %get3A_6 = arith.constant 0 : index
    %get3A_7 = vector.load %arg3[%get3A_5, %get3A_6] : memref<16x64xf32, #tpu.memory_space<vmem>>, vector<16x64xf32>
    %dot_general3A = arith.constant dense<0.000000e+00> : vector<3200x64xf32>
    %dot_general3A_8 = tpu.matmul %get3A_1, %get3A_7, %dot_general3A {dimension_numbers = #tpu.dot_dimension_numbers<[0], [0], [1], [1], [0, 1, 1, 1], [], []>, transpose_lhs_hint = false} : vector<16x3200xf32>, vector<16x64xf32>, vector<3200x64xf32> -> vector<3200x64xf32>
    %get3A_9 = arith.constant 0 : index
    %get3A_10 = arith.constant 0 : index
    %get3A_11 = vector.load %arg4[%get3A_9, %get3A_10] : memref<1x64xf32, #tpu.memory_space<vmem>>, vector<1x64xf32>
    %mul3A = vector.broadcast %get3A_11 : vector<1x64xf32> to vector<3200x64xf32>
    %mul3A_12 = arith.mulf %dot_general3A_8, %mul3A : vector<3200x64xf32>
    %get3A_13 = arith.constant 0 : index
    %get3A_14 = arith.constant 0 : index
    %get3A_15 = vector.load %arg5[%get3A_13, %get3A_14] : memref<1x64xf32, #tpu.memory_space<vmem>>, vector<1x64xf32>
    %add3A = vector.broadcast %get3A_15 : vector<1x64xf32> to vector<3200x64xf32>
    %add3A_16 = arith.addf %mul3A_12, %add3A : vector<3200x64xf32>
    %max3A = arith.constant 0.000000e+00 : f32
    %max3A_17 = vector.broadcast %max3A : f32 to vector<3200x64xf32>
    %max3A_18 = arith.maximumf %add3A_16, %max3A_17 : vector<3200x64xf32>
    %concatenate3A = tpu.concatenate %max3A_18, %max3A_18 in 1 : vector<3200x64xf32>, vector<3200x64xf32> -> vector<3200x128xf32>
    %get3A_19 = arith.constant 0 : index
    %get3A_20 = arith.constant 0 : index
    %get3A_21 = vector.load %arg8[%get3A_19, %get3A_20] : memref<128x32xbf16, #tpu.memory_space<vmem>>, vector<128x32xbf16>
    %dot_general3A_22 = arith.constant dense<0.000000e+00> : vector<3200x32xf32>
    %dot_general3A_23 = tpu.matmul %convert_element_type3A, %get3A_21, %dot_general3A_22 {dimension_numbers = #tpu.dot_dimension_numbers<[1], [0], [0], [1], [0, 0, 1, 1], [], []>, transpose_lhs_hint = false} : vector<3200x128xbf16>, vector<128x32xbf16>, vector<3200x32xf32> -> vector<3200x32xf32>
    %get3A_24 = arith.constant 0 : index
    %get3A_25 = arith.constant 0 : index
    %get3A_26 = vector.load %arg6[%get3A_24, %get3A_25] : memref<128x1280xbf16, #tpu.memory_space<vmem>>, vector<128x128xbf16>
    %dot_general3A_27 = arith.constant dense<0.000000e+00> : vector<3200x128xf32>
    %dot_general3A_28 = tpu.matmul %convert_element_type3A, %get3A_26, %dot_general3A_27 {dimension_numbers = #tpu.dot_dimension_numbers<[1], [0], [0], [1], [0, 0, 1, 1], [], []>, transpose_lhs_hint = false} : vector<3200x128xbf16>, vector<128x128xbf16>, vector<3200x128xf32> -> vector<3200x128xf32>
    %mul3A_29 = arith.mulf %dot_general3A_28, %concatenate3A : vector<3200x128xf32>
    %convert_element_type3A_30 = arith.truncf %mul3A_29 : vector<3200x128xf32> to vector<3200x128xbf16>
    %get3A_31 = arith.constant 0 : index
    %get3A_32 = arith.constant 0 : index
    %get3A_33 = vector.load %arg7[%get3A_31, %get3A_32] : memref<1280x32xbf16, #tpu.memory_space<vmem>>, vector<128x32xbf16>
    %dot_general3A_34 = arith.constant dense<0.000000e+00> : vector<3200x32xf32>
    %dot_general3A_35 = tpu.matmul %convert_element_type3A_30, %get3A_33, %dot_general3A_34 {dimension_numbers = #tpu.dot_dimension_numbers<[1], [0], [0], [1], [0, 0, 1, 1], [], []>, transpose_lhs_hint = false} : vector<3200x128xbf16>, vector<128x32xbf16>, vector<3200x32xf32> -> vector<3200x32xf32>
    %add3A_36 = arith.addf %dot_general3A_23, %dot_general3A_35 : vector<3200x32xf32>
    %get3A_37 = arith.constant 0 : index
    %get3A_38 = arith.constant 128 : index
    %get3A_39 = vector.load %arg6[%get3A_37, %get3A_38] : memref<128x1280xbf16, #tpu.memory_space<vmem>>, vector<128x128xbf16>
    %dot_general3A_40 = arith.constant dense<0.000000e+00> : vector<3200x128xf32>
    %dot_general3A_41 = tpu.matmul %convert_element_type3A, %get3A_39, %dot_general3A_40 {dimension_numbers = #tpu.dot_dimension_numbers<[1], [0], [0], [1], [0, 0, 1, 1], [], []>, transpose_lhs_hint = false} : vector<3200x128xbf16>, vector<128x128xbf16>, vector<3200x128xf32> -> vector<3200x128xf32>
    %mul3A_42 = arith.mulf %dot_general3A_41, %concatenate3A : vector<3200x128xf32>
    %convert_element_type3A_43 = arith.truncf %mul3A_42 : vector<3200x128xf32> to vector<3200x128xbf16>
    %get3A_44 = arith.constant 128 : index
    %get3A_45 = arith.constant 0 : index
    %get3A_46 = vector.load %arg7[%get3A_44, %get3A_45] : memref<1280x32xbf16, #tpu.memory_space<vmem>>, vector<128x32xbf16>
    %dot_general3A_47 = arith.constant dense<0.000000e+00> : vector<3200x32xf32>
    %dot_general3A_48 = tpu.matmul %convert_element_type3A_43, %get3A_46, %dot_general3A_47 {dimension_numbers = #tpu.dot_dimension_numbers<[1], [0], [0], [1], [0, 0, 1, 1], [], []>, transpose_lhs_hint = false} : vector<3200x128xbf16>, vector<128x32xbf16>, vector<3200x32xf32> -> vector<3200x32xf32>
    %add3A_49 = arith.addf %add3A_36, %dot_general3A_48 : vector<3200x32xf32>
    %get3A_50 = arith.constant 0 : index
    %get3A_51 = arith.constant 256 : index
    %get3A_52 = vector.load %arg6[%get3A_50, %get3A_51] : memref<128x1280xbf16, #tpu.memory_space<vmem>>, vector<128x128xbf16>
    %dot_general3A_53 = arith.constant dense<0.000000e+00> : vector<3200x128xf32>
    %dot_general3A_54 = tpu.matmul %convert_element_type3A, %get3A_52, %dot_general3A_53 {dimension_numbers = #tpu.dot_dimension_numbers<[1], [0], [0], [1], [0, 0, 1, 1], [], []>, transpose_lhs_hint = false} : vector<3200x128xbf16>, vector<128x128xbf16>, vector<3200x128xf32> -> vector<3200x128xf32>
    %mul3A_55 = arith.mulf %dot_general3A_54, %concatenate3A : vector<3200x128xf32>
    %convert_element_type3A_56 = arith.truncf %mul3A_55 : vector<3200x128xf32> to vector<3200x128xbf16>
    %get3A_57 = arith.constant 256 : index
    %get3A_58 = arith.constant 0 : index
    %get3A_59 = vector.load %arg7[%get3A_57, %get3A_58] : memref<1280x32xbf16, #tpu.memory_space<vmem>>, vector<128x32xbf16>
    %dot_general3A_60 = arith.constant dense<0.000000e+00> : vector<3200x32xf32>
    %dot_general3A_61 = tpu.matmul %convert_element_type3A_56, %get3A_59, %dot_general3A_60 {dimension_numbers = #tpu.dot_dimension_numbers<[1], [0], [0], [1], [0, 0, 1, 1], [], []>, transpose_lhs_hint = false} : vector<3200x128xbf16>, vector<128x32xbf16>, vector<3200x32xf32> -> vector<3200x32xf32>
    %add3A_62 = arith.addf %add3A_49, %dot_general3A_61 : vector<3200x32xf32>
    %get3A_63 = arith.constant 0 : index
    %get3A_64 = arith.constant 384 : index
    %get3A_65 = vector.load %arg6[%get3A_63, %get3A_64] : memref<128x1280xbf16, #tpu.memory_space<vmem>>, vector<128x128xbf16>
    %dot_general3A_66 = arith.constant dense<0.000000e+00> : vector<3200x128xf32>
    %dot_general3A_67 = tpu.matmul %convert_element_type3A, %get3A_65, %dot_general3A_66 {dimension_numbers = #tpu.dot_dimension_numbers<[1], [0], [0], [1], [0, 0, 1, 1], [], []>, transpose_lhs_hint = false} : vector<3200x128xbf16>, vector<128x128xbf16>, vector<3200x128xf32> -> vector<3200x128xf32>
    %mul3A_68 = arith.mulf %dot_general3A_67, %concatenate3A : vector<3200x128xf32>
    %convert_element_type3A_69 = arith.truncf %mul3A_68 : vector<3200x128xf32> to vector<3200x128xbf16>
    %get3A_70 = arith.constant 384 : index
    %get3A_71 = arith.constant 0 : index
    %get3A_72 = vector.load %arg7[%get3A_70, %get3A_71] : memref<1280x32xbf16, #tpu.memory_space<vmem>>, vector<128x32xbf16>
    %dot_general3A_73 = arith.constant dense<0.000000e+00> : vector<3200x32xf32>
    %dot_general3A_74 = tpu.matmul %convert_element_type3A_69, %get3A_72, %dot_general3A_73 {dimension_numbers = #tpu.dot_dimension_numbers<[1], [0], [0], [1], [0, 0, 1, 1], [], []>, transpose_lhs_hint = false} : vector<3200x128xbf16>, vector<128x32xbf16>, vector<3200x32xf32> -> vector<3200x32xf32>
    %add3A_75 = arith.addf %add3A_62, %dot_general3A_74 : vector<3200x32xf32>
    %get3A_76 = arith.constant 0 : index
    %get3A_77 = arith.constant 512 : index
    %get3A_78 = vector.load %arg6[%get3A_76, %get3A_77] : memref<128x1280xbf16, #tpu.memory_space<vmem>>, vector<128x128xbf16>
    %dot_general3A_79 = arith.constant dense<0.000000e+00> : vector<3200x128xf32>
    %dot_general3A_80 = tpu.matmul %convert_element_type3A, %get3A_78, %dot_general3A_79 {dimension_numbers = #tpu.dot_dimension_numbers<[1], [0], [0], [1], [0, 0, 1, 1], [], []>, transpose_lhs_hint = false} : vector<3200x128xbf16>, vector<128x128xbf16>, vector<3200x128xf32> -> vector<3200x128xf32>
    %mul3A_81 = arith.mulf %dot_general3A_80, %concatenate3A : vector<3200x128xf32>
    %convert_element_type3A_82 = arith.truncf %mul3A_81 : vector<3200x128xf32> to vector<3200x128xbf16>
    %get3A_83 = arith.constant 512 : index
    %get3A_84 = arith.constant 0 : index
    %get3A_85 = vector.load %arg7[%get3A_83, %get3A_84] : memref<1280x32xbf16, #tpu.memory_space<vmem>>, vector<128x32xbf16>
    %dot_general3A_86 = arith.constant dense<0.000000e+00> : vector<3200x32xf32>
    %dot_general3A_87 = tpu.matmul %convert_element_type3A_82, %get3A_85, %dot_general3A_86 {dimension_numbers = #tpu.dot_dimension_numbers<[1], [0], [0], [1], [0, 0, 1, 1], [], []>, transpose_lhs_hint = false} : vector<3200x128xbf16>, vector<128x32xbf16>, vector<3200x32xf32> -> vector<3200x32xf32>
    %add3A_88 = arith.addf %add3A_75, %dot_general3A_87 : vector<3200x32xf32>
    %get3A_89 = arith.constant 0 : index
    %get3A_90 = arith.constant 640 : index
    %get3A_91 = vector.load %arg6[%get3A_89, %get3A_90] : memref<128x1280xbf16, #tpu.memory_space<vmem>>, vector<128x128xbf16>
    %dot_general3A_92 = arith.constant dense<0.000000e+00> : vector<3200x128xf32>
    %dot_general3A_93 = tpu.matmul %convert_element_type3A, %get3A_91, %dot_general3A_92 {dimension_numbers = #tpu.dot_dimension_numbers<[1], [0], [0], [1], [0, 0, 1, 1], [], []>, transpose_lhs_hint = false} : vector<3200x128xbf16>, vector<128x128xbf16>, vector<3200x128xf32> -> vector<3200x128xf32>
    %mul3A_94 = arith.mulf %dot_general3A_93, %concatenate3A : vector<3200x128xf32>
    %convert_element_type3A_95 = arith.truncf %mul3A_94 : vector<3200x128xf32> to vector<3200x128xbf16>
    %get3A_96 = arith.constant 640 : index
    %get3A_97 = arith.constant 0 : index
    %get3A_98 = vector.load %arg7[%get3A_96, %get3A_97] : memref<1280x32xbf16, #tpu.memory_space<vmem>>, vector<128x32xbf16>
    %dot_general3A_99 = arith.constant dense<0.000000e+00> : vector<3200x32xf32>
    %dot_general3A_100 = tpu.matmul %convert_element_type3A_95, %get3A_98, %dot_general3A_99 {dimension_numbers = #tpu.dot_dimension_numbers<[1], [0], [0], [1], [0, 0, 1, 1], [], []>, transpose_lhs_hint = false} : vector<3200x128xbf16>, vector<128x32xbf16>, vector<3200x32xf32> -> vector<3200x32xf32>
    %add3A_101 = arith.addf %add3A_88, %dot_general3A_100 : vector<3200x32xf32>
    %get3A_102 = arith.constant 0 : index
    %get3A_103 = arith.constant 768 : index
    %get3A_104 = vector.load %arg6[%get3A_102, %get3A_103] : memref<128x1280xbf16, #tpu.memory_space<vmem>>, vector<128x128xbf16>
    %dot_general3A_105 = arith.constant dense<0.000000e+00> : vector<3200x128xf32>
    %dot_general3A_106 = tpu.matmul %convert_element_type3A, %get3A_104, %dot_general3A_105 {dimension_numbers = #tpu.dot_dimension_numbers<[1], [0], [0], [1], [0, 0, 1, 1], [], []>, transpose_lhs_hint = false} : vector<3200x128xbf16>, vector<128x128xbf16>, vector<3200x128xf32> -> vector<3200x128xf32>
    %mul3A_107 = arith.mulf %dot_general3A_106, %concatenate3A : vector<3200x128xf32>
    %convert_element_type3A_108 = arith.truncf %mul3A_107 : vector<3200x128xf32> to vector<3200x128xbf16>
    %get3A_109 = arith.constant 768 : index
    %get3A_110 = arith.constant 0 : index
    %get3A_111 = vector.load %arg7[%get3A_109, %get3A_110] : memref<1280x32xbf16, #tpu.memory_space<vmem>>, vector<128x32xbf16>
    %dot_general3A_112 = arith.constant dense<0.000000e+00> : vector<3200x32xf32>
    %dot_general3A_113 = tpu.matmul %convert_element_type3A_108, %get3A_111, %dot_general3A_112 {dimension_numbers = #tpu.dot_dimension_numbers<[1], [0], [0], [1], [0, 0, 1, 1], [], []>, transpose_lhs_hint = false} : vector<3200x128xbf16>, vector<128x32xbf16>, vector<3200x32xf32> -> vector<3200x32xf32>
    %add3A_114 = arith.addf %add3A_101, %dot_general3A_113 : vector<3200x32xf32>
    %get3A_115 = arith.constant 0 : index
    %get3A_116 = arith.constant 896 : index
    %get3A_117 = vector.load %arg6[%get3A_115, %get3A_116] : memref<128x1280xbf16, #tpu.memory_space<vmem>>, vector<128x128xbf16>
    %dot_general3A_118 = arith.constant dense<0.000000e+00> : vector<3200x128xf32>
    %dot_general3A_119 = tpu.matmul %convert_element_type3A, %get3A_117, %dot_general3A_118 {dimension_numbers = #tpu.dot_dimension_numbers<[1], [0], [0], [1], [0, 0, 1, 1], [], []>, transpose_lhs_hint = false} : vector<3200x128xbf16>, vector<128x128xbf16>, vector<3200x128xf32> -> vector<3200x128xf32>
    %mul3A_120 = arith.mulf %dot_general3A_119, %concatenate3A : vector<3200x128xf32>
    %convert_element_type3A_121 = arith.truncf %mul3A_120 : vector<3200x128xf32> to vector<3200x128xbf16>
    %get3A_122 = arith.constant 896 : index
    %get3A_123 = arith.constant 0 : index
    %get3A_124 = vector.load %arg7[%get3A_122, %get3A_123] : memref<1280x32xbf16, #tpu.memory_space<vmem>>, vector<128x32xbf16>
    %dot_general3A_125 = arith.constant dense<0.000000e+00> : vector<3200x32xf32>
    %dot_general3A_126 = tpu.matmul %convert_element_type3A_121, %get3A_124, %dot_general3A_125 {dimension_numbers = #tpu.dot_dimension_numbers<[1], [0], [0], [1], [0, 0, 1, 1], [], []>, transpose_lhs_hint = false} : vector<3200x128xbf16>, vector<128x32xbf16>, vector<3200x32xf32> -> vector<3200x32xf32>
    %add3A_127 = arith.addf %add3A_114, %dot_general3A_126 : vector<3200x32xf32>
    %get3A_128 = arith.constant 0 : index
    %get3A_129 = arith.constant 1024 : index
    %get3A_130 = vector.load %arg6[%get3A_128, %get3A_129] : memref<128x1280xbf16, #tpu.memory_space<vmem>>, vector<128x128xbf16>
    %dot_general3A_131 = arith.constant dense<0.000000e+00> : vector<3200x128xf32>
    %dot_general3A_132 = tpu.matmul %convert_element_type3A, %get3A_130, %dot_general3A_131 {dimension_numbers = #tpu.dot_dimension_numbers<[1], [0], [0], [1], [0, 0, 1, 1], [], []>, transpose_lhs_hint = false} : vector<3200x128xbf16>, vector<128x128xbf16>, vector<3200x128xf32> -> vector<3200x128xf32>
    %mul3A_133 = arith.mulf %dot_general3A_132, %concatenate3A : vector<3200x128xf32>
    %convert_element_type3A_134 = arith.truncf %mul3A_133 : vector<3200x128xf32> to vector<3200x128xbf16>
    %get3A_135 = arith.constant 1024 : index
    %get3A_136 = arith.constant 0 : index
    %get3A_137 = vector.load %arg7[%get3A_135, %get3A_136] : memref<1280x32xbf16, #tpu.memory_space<vmem>>, vector<128x32xbf16>
    %dot_general3A_138 = arith.constant dense<0.000000e+00> : vector<3200x32xf32>
    %dot_general3A_139 = tpu.matmul %convert_element_type3A_134, %get3A_137, %dot_general3A_138 {dimension_numbers = #tpu.dot_dimension_numbers<[1], [0], [0], [1], [0, 0, 1, 1], [], []>, transpose_lhs_hint = false} : vector<3200x128xbf16>, vector<128x32xbf16>, vector<3200x32xf32> -> vector<3200x32xf32>
    %add3A_140 = arith.addf %add3A_127, %dot_general3A_139 : vector<3200x32xf32>
    %get3A_141 = arith.constant 0 : index
    %get3A_142 = arith.constant 1152 : index
    %get3A_143 = vector.load %arg6[%get3A_141, %get3A_142] : memref<128x1280xbf16, #tpu.memory_space<vmem>>, vector<128x128xbf16>
    %dot_general3A_144 = arith.constant dense<0.000000e+00> : vector<3200x128xf32>
    %dot_general3A_145 = tpu.matmul %convert_element_type3A, %get3A_143, %dot_general3A_144 {dimension_numbers = #tpu.dot_dimension_numbers<[1], [0], [0], [1], [0, 0, 1, 1], [], []>, transpose_lhs_hint = false} : vector<3200x128xbf16>, vector<128x128xbf16>, vector<3200x128xf32> -> vector<3200x128xf32>
    %mul3A_146 = arith.mulf %dot_general3A_145, %concatenate3A : vector<3200x128xf32>
    %convert_element_type3A_147 = arith.truncf %mul3A_146 : vector<3200x128xf32> to vector<3200x128xbf16>
    %get3A_148 = arith.constant 1152 : index
    %get3A_149 = arith.constant 0 : index
    %get3A_150 = vector.load %arg7[%get3A_148, %get3A_149] : memref<1280x32xbf16, #tpu.memory_space<vmem>>, vector<128x32xbf16>
    %dot_general3A_151 = arith.constant dense<0.000000e+00> : vector<3200x32xf32>
    %dot_general3A_152 = tpu.matmul %convert_element_type3A_147, %get3A_150, %dot_general3A_151 {dimension_numbers = #tpu.dot_dimension_numbers<[1], [0], [0], [1], [0, 0, 1, 1], [], []>, transpose_lhs_hint = false} : vector<3200x128xbf16>, vector<128x32xbf16>, vector<3200x32xf32> -> vector<3200x32xf32>
    %add3A_153 = arith.addf %add3A_140, %dot_general3A_152 : vector<3200x32xf32>
    %swap3A = arith.constant 0 : index
    %swap3A_154 = arith.constant 0 : index
    %swap3A_155 = vector.load %arg9[%swap3A, %swap3A_154] : memref<3200x32xf32, #tpu.memory_space<vmem>>, vector<3200x32xf32>
    tpu.vector_store %arg9[%swap3A, %swap3A_154], %add3A_153 {strides = array<i32>} : memref<3200x32xf32, #tpu.memory_space<vmem>>, vector<3200x32xf32>,
    return
  }
  func.func @transform_0(%arg0: i32) -> (i32, i32) {
    %add3A = arith.constant 0 : i32
    %add3A_0 = arith.addi %arg0, %add3A : i32
    %c0_i32 = arith.constant 0 : i32
    %c0_i32_1 = arith.constant 0 : i32
    return %c0_i32, %add3A_0 : i32, i32
  }
  func.func @transform_1(%arg0: i32) -> (i32, i32) {
    %add3A = arith.constant 0 : i32
    %add3A_0 = arith.addi %arg0, %add3A : i32
    %c0_i32 = arith.constant 0 : i32
    %c0_i32_1 = arith.constant 0 : i32
    return %add3A_0, %c0_i32 : i32, i32
  }
  func.func @transform_2(%arg0: i32) -> (i32, i32) {
    %c0_i32 = arith.constant 0 : i32
    %c0_i32_0 = arith.constant 0 : i32
    %c0_i32_1 = arith.constant 0 : i32
    return %c0_i32, %c0_i32_0 : i32, i32
  }
  func.func @transform_3(%arg0: i32) -> (i32, i32) {
    %c0_i32 = arith.constant 0 : i32
    %c0_i32_0 = arith.constant 0 : i32
    %c0_i32_1 = arith.constant 0 : i32
    return %c0_i32, %c0_i32_0 : i32, i32
  }
  func.func @transform_4(%arg0: i32) -> (i32, i32) {
    %c0_i32 = arith.constant 0 : i32
    %c0_i32_0 = arith.constant 0 : i32
    %c0_i32_1 = arith.constant 0 : i32
    return %c0_i32, %c0_i32_0 : i32, i32
  }
  func.func @transform_5(%arg0: i32) -> (i32, i32) {
    %c0_i32 = arith.constant 0 : i32
    %c0_i32_0 = arith.constant 0 : i32
    %c0_i32_1 = arith.constant 0 : i32
    return %c0_i32, %c0_i32_0 : i32, i32
  }
  func.func @transform_6(%arg0: i32) -> (i32, i32) {
    %c0_i32 = arith.constant 0 : i32
    %c0_i32_0 = arith.constant 0 : i32
    %c0_i32_1 = arith.constant 0 : i32
    return %c0_i32, %c0_i32_0 : i32, i32
  }
  func.func @transform_7(%arg0: i32) -> (i32, i32) {
    %c0_i32 = arith.constant 0 : i32
    %c0_i32_0 = arith.constant 0 : i32
    %c0_i32_1 = arith.constant 0 : i32
    return %c0_i32, %c0_i32_0 : i32, i32
  }
  func.func @transform_8(%arg0: i32) -> (i32, i32) {
    %c0_i32 = arith.constant 0 : i32
    %c0_i32_0 = arith.constant 0 : i32
    return %arg0, %c0_i32 : i32, i32
  }
}

module attributes {stable_mosaic.version = 14 : i64} {
  func.func @_msg_body(%arg0: i32, %arg1: memref<16x3200xf32, #tpu.memory_space<vmem>>, %arg2: memref<3200x128xf32, #tpu.memory_space<vmem>>, %arg3: memref<16x64xf32, #tpu.memory_space<vmem>>, %arg4: memref<1x64xf32, #tpu.memory_space<vmem>>, %arg5: memref<1x64xf32, #tpu.memory_space<vmem>>, %arg6: memref<128x1280xbf16, #tpu.memory_space<vmem>>, %arg7: memref<1280x32xbf16, #tpu.memory_space<vmem>>, %arg8: memref<128x32xbf16, #tpu.memory_space<vmem>>, %arg9: memref<3200x32xf32, #tpu.memory_space<vmem>>) attributes {dimension_semantics = [#tpu.dimension_semantics<arbitrary>], iteration_bounds = array<i64: 25>, scalar_prefetch = 0 : i64, scratch_operands = 0 : i64, tpu.core_type = #tpu.core_type<tc>, window_params = [{transform_indices = @transform_0, window_bounds = array<i64: 16, 3200>}, {transform_indices = @transform_1, window_bounds = array<i64: 3200, 128>}, {pipeline_mode = #tpu.pipeline_mode<synchronous>, transform_indices = @transform_2, window_bounds = array<i64: 16, 64>}, {pipeline_mode = #tpu.pipeline_mode<synchronous>, transform_indices = @transform_3, window_bounds = array<i64: 1, 64>}, {pipeline_mode = #tpu.pipeline_mode<synchronous>, transform_indices = @transform_4, window_bounds = array<i64: 1, 64>}, {pipeline_mode = #tpu.pipeline_mode<synchronous>, transform_indices = @transform_5, window_bounds = array<i64: 128, 1280>}, {pipeline_mode = #tpu.pipeline_mode<synchronous>, transform_indices = @transform_6, window_bounds = array<i64: 1280, 32>}, {pipeline_mode = #tpu.pipeline_mode<synchronous>, transform_indices = @transform_7, window_bounds = array<i64: 128, 32>}, {transform_indices = @transform_8, window_bounds = array<i64: 3200, 32>}]} {
    %get3A = arith.constant 0 : index
    %get3A_0 = arith.constant 0 : index
    %get3A_1 = vector.load %arg1[%get3A, %get3A_0] : memref<16x3200xf32, #tpu.memory_space<vmem>>, vector<16x3200xf32>
    %get3A_2 = arith.constant 0 : index
    %get3A_3 = arith.constant 0 : index
    %get3A_4 = vector.load %arg2[%get3A_2, %get3A_3] : memref<3200x128xf32, #tpu.memory_space<vmem>>, vector<3200x128xf32>
    %convert_element_type3A = arith.truncf %get3A_4 : vector<3200x128xf32> to vector<3200x128xbf16>
    %get3A_5 = arith.constant 0 : index
    %get3A_6 = arith.constant 0 : index
    %get3A_7 = vector.load %arg3[%get3A_5, %get3A_6] : memref<16x64xf32, #tpu.memory_space<vmem>>, vector<16x64xf32>
    %dot_general3A = arith.constant dense<0.000000e+00> : vector<3200x64xf32>
    %dot_general3A_8 = tpu.matmul %get3A_1, %get3A_7, %dot_general3A {dimension_numbers = #tpu.dot_dimension_numbers<[0], [0], [1], [1], [0, 1, 1, 1], [], []>, transpose_lhs_hint = false} : vector<16x3200xf32>, vector<16x64xf32>, vector<3200x64xf32> -> vector<3200x64xf32>
    %get3A_9 = arith.constant 0 : index
    %get3A_10 = arith.constant 0 : index
    %get3A_11 = vector.load %arg4[%get3A_9, %get3A_10] : memref<1x64xf32, #tpu.memory_space<vmem>>, vector<1x64xf32>
    %mul3A = vector.broadcast %get3A_11 : vector<1x64xf32> to vector<3200x64xf32>
    %mul3A_12 = arith.mulf %dot_general3A_8, %mul3A : vector<3200x64xf32>
    %get3A_13 = arith.constant 0 : index
    %get3A_14 = arith.constant 0 : index
    %get3A_15 = vector.load %arg5[%get3A_13, %get3A_14] : memref<1x64xf32, #tpu.memory_space<vmem>>, vector<1x64xf32>
    %add3A = vector.broadcast %get3A_15 : vector<1x64xf32> to vector<3200x64xf32>
    %add3A_16 = arith.addf %mul3A_12, %add3A : vector<3200x64xf32>
    %max3A = arith.constant 0.000000e+00 : f32
    %max3A_17 = vector.broadcast %max3A : f32 to vector<3200x64xf32>
    %max3A_18 = arith.maximumf %add3A_16, %max3A_17 : vector<3200x64xf32>
    %concatenate3A = tpu.concatenate %max3A_18, %max3A_18 in 1 : vector<3200x64xf32>, vector<3200x64xf32> -> vector<3200x128xf32>
    %get3A_19 = arith.constant 0 : index
    %get3A_20 = arith.constant 0 : index
    %get3A_21 = vector.load %arg8[%get3A_19, %get3A_20] : memref<128x32xbf16, #tpu.memory_space<vmem>>, vector<128x32xbf16>
    %dot_general3A_22 = arith.constant dense<0.000000e+00> : vector<3200x32xf32>
    %dot_general3A_23 = tpu.matmul %convert_element_type3A, %get3A_21, %dot_general3A_22 {dimension_numbers = #tpu.dot_dimension_numbers<[1], [0], [0], [1], [0, 0, 1, 1], [], []>, transpose_lhs_hint = false} : vector<3200x128xbf16>, vector<128x32xbf16>, vector<3200x32xf32> -> vector<3200x32xf32>
    %get3A_24 = arith.constant 0 : index
    %get3A_25 = arith.constant 0 : index
    %get3A_26 = vector.load %arg6[%get3A_24, %get3A_25] : memref<128x1280xbf16, #tpu.memory_space<vmem>>, vector<128x128xbf16>
    %dot_general3A_27 = arith.constant dense<0.000000e+00> : vector<3200x128xf32>
    %dot_general3A_28 = tpu.matmul %convert_element_type3A, %get3A_26, %dot_general3A_27 {dimension_numbers = #tpu.dot_dimension_numbers<[1], [0], [0], [1], [0, 0, 1, 1], [], []>, transpose_lhs_hint = false} : vector<3200x128xbf16>, vector<128x128xbf16>, vector<3200x128xf32> -> vector<3200x128xf32>
    %mul3A_29 = arith.mulf %dot_general3A_28, %concatenate3A : vector<3200x128xf32>
    %convert_element_type3A_30 = arith.truncf %mul3A_29 : vector<3200x128xf32> to vector<3200x128xbf16>
    %get3A_31 = arith.constant 0 : index
    %get3A_32 = arith.constant 0 : index
    %get3A_33 = vector.load %arg7[%get3A_31, %get3A_32] : memref<1280x32xbf16, #tpu.memory_space<vmem>>, vector<128x32xbf16>
    %dot_general3A_34 = arith.constant dense<0.000000e+00> : vector<3200x32xf32>
    %dot_general3A_35 = tpu.matmul %convert_element_type3A_30, %get3A_33, %dot_general3A_34 {dimension_numbers = #tpu.dot_dimension_numbers<[1], [0], [0], [1], [0, 0, 1, 1], [], []>, transpose_lhs_hint = false} : vector<3200x128xbf16>, vector<128x32xbf16>, vector<3200x32xf32> -> vector<3200x32xf32>
    %add3A_36 = arith.addf %dot_general3A_23, %dot_general3A_35 : vector<3200x32xf32>
    %get3A_37 = arith.constant 0 : index
    %get3A_38 = arith.constant 128 : index
    %get3A_39 = vector.load %arg6[%get3A_37, %get3A_38] : memref<128x1280xbf16, #tpu.memory_space<vmem>>, vector<128x128xbf16>
    %dot_general3A_40 = arith.constant dense<0.000000e+00> : vector<3200x128xf32>
    %dot_general3A_41 = tpu.matmul %convert_element_type3A, %get3A_39, %dot_general3A_40 {dimension_numbers = #tpu.dot_dimension_numbers<[1], [0], [0], [1], [0, 0, 1, 1], [], []>, transpose_lhs_hint = false} : vector<3200x128xbf16>, vector<128x128xbf16>, vector<3200x128xf32> -> vector<3200x128xf32>
    %mul3A_42 = arith.mulf %dot_general3A_41, %concatenate3A : vector<3200x128xf32>
    %convert_element_type3A_43 = arith.truncf %mul3A_42 : vector<3200x128xf32> to vector<3200x128xbf16>
    %get3A_44 = arith.constant 128 : index
    %get3A_45 = arith.constant 0 : index
    %get3A_46 = vector.load %arg7[%get3A_44, %get3A_45] : memref<1280x32xbf16, #tpu.memory_space<vmem>>, vector<128x32xbf16>
    %dot_general3A_47 = arith.constant dense<0.000000e+00> : vector<3200x32xf32>
    %dot_general3A_48 = tpu.matmul %convert_element_type3A_43, %get3A_46, %dot_general3A_47 {dimension_numbers = #tpu.dot_dimension_numbers<[1], [0], [0], [1], [0, 0, 1, 1], [], []>, transpose_lhs_hint = false} : vector<3200x128xbf16>, vector<128x32xbf16>, vector<3200x32xf32> -> vector<3200x32xf32>
    %add3A_49 = arith.addf %add3A_36, %dot_general3A_48 : vector<3200x32xf32>
    %get3A_50 = arith.constant 0 : index
    %get3A_51 = arith.constant 256 : index
    %get3A_52 = vector.load %arg6[%get3A_50, %get3A_51] : memref<128x1280xbf16, #tpu.memory_space<vmem>>, vector<128x128xbf16>
    %dot_general3A_53 = arith.constant dense<0.000000e+00> : vector<3200x128xf32>
    %dot_general3A_54 = tpu.matmul %convert_element_type3A, %get3A_52, %dot_general3A_53 {dimension_numbers = #tpu.dot_dimension_numbers<[1], [0], [0], [1], [0, 0, 1, 1], [], []>, transpose_lhs_hint = false} : vector<3200x128xbf16>, vector<128x128xbf16>, vector<3200x128xf32> -> vector<3200x128xf32>
    %mul3A_55 = arith.mulf %dot_general3A_54, %concatenate3A : vector<3200x128xf32>
    %convert_element_type3A_56 = arith.truncf %mul3A_55 : vector<3200x128xf32> to vector<3200x128xbf16>
    %get3A_57 = arith.constant 256 : index
    %get3A_58 = arith.constant 0 : index
    %get3A_59 = vector.load %arg7[%get3A_57, %get3A_58] : memref<1280x32xbf16, #tpu.memory_space<vmem>>, vector<128x32xbf16>
    %dot_general3A_60 = arith.constant dense<0.000000e+00> : vector<3200x32xf32>
    %dot_general3A_61 = tpu.matmul %convert_element_type3A_56, %get3A_59, %dot_general3A_60 {dimension_numbers = #tpu.dot_dimension_numbers<[1], [0], [0], [1], [0, 0, 1, 1], [], []>, transpose_lhs_hint = false} : vector<3200x128xbf16>, vector<128x32xbf16>, vector<3200x32xf32> -> vector<3200x32xf32>
    %add3A_62 = arith.addf %add3A_49, %dot_general3A_61 : vector<3200x32xf32>
    %get3A_63 = arith.constant 0 : index
    %get3A_64 = arith.constant 384 : index
    %get3A_65 = vector.load %arg6[%get3A_63, %get3A_64] : memref<128x1280xbf16, #tpu.memory_space<vmem>>, vector<128x128xbf16>
    %dot_general3A_66 = arith.constant dense<0.000000e+00> : vector<3200x128xf32>
    %dot_general3A_67 = tpu.matmul %convert_element_type3A, %get3A_65, %dot_general3A_66 {dimension_numbers = #tpu.dot_dimension_numbers<[1], [0], [0], [1], [0, 0, 1, 1], [], []>, transpose_lhs_hint = false} : vector<3200x128xbf16>, vector<128x128xbf16>, vector<3200x128xf32> -> vector<3200x128xf32>
    %mul3A_68 = arith.mulf %dot_general3A_67, %concatenate3A : vector<3200x128xf32>
    %convert_element_type3A_69 = arith.truncf %mul3A_68 : vector<3200x128xf32> to vector<3200x128xbf16>
    %get3A_70 = arith.constant 384 : index
    %get3A_71 = arith.constant 0 : index
    %get3A_72 = vector.load %arg7[%get3A_70, %get3A_71] : memref<1280x32xbf16, #tpu.memory_space<vmem>>, vector<128x32xbf16>
    %dot_general3A_73 = arith.constant dense<0.000000e+00> : vector<3200x32xf32>
    %dot_general3A_74 = tpu.matmul %convert_element_type3A_69, %get3A_72, %dot_general3A_73 {dimension_numbers = #tpu.dot_dimension_numbers<[1], [0], [0], [1], [0, 0, 1, 1], [], []>, transpose_lhs_hint = false} : vector<3200x128xbf16>, vector<128x32xbf16>, vector<3200x32xf32> -> vector<3200x32xf32>
    %add3A_75 = arith.addf %add3A_62, %dot_general3A_74 : vector<3200x32xf32>
    %get3A_76 = arith.constant 0 : index
    %get3A_77 = arith.constant 512 : index
    %get3A_78 = vector.load %arg6[%get3A_76, %get3A_77] : memref<128x1280xbf16, #tpu.memory_space<vmem>>, vector<128x128xbf16>
    %dot_general3A_79 = arith.constant dense<0.000000e+00> : vector<3200x128xf32>
    %dot_general3A_80 = tpu.matmul %convert_element_type3A, %get3A_78, %dot_general3A_79 {dimension_numbers = #tpu.dot_dimension_numbers<[1], [0], [0], [1], [0, 0, 1, 1], [], []>, transpose_lhs_hint = false} : vector<3200x128xbf16>, vector<128x128xbf16>, vector<3200x128xf32> -> vector<3200x128xf32>
    %mul3A_81 = arith.mulf %dot_general3A_80, %concatenate3A : vector<3200x128xf32>
    %convert_element_type3A_82 = arith.truncf %mul3A_81 : vector<3200x128xf32> to vector<3200x128xbf16>
    %get3A_83 = arith.constant 512 : index
    %get3A_84 = arith.constant 0 : index
    %get3A_85 = vector.load %arg7[%get3A_83, %get3A_84] : memref<1280x32xbf16, #tpu.memory_space<vmem>>, vector<128x32xbf16>
    %dot_general3A_86 = arith.constant dense<0.000000e+00> : vector<3200x32xf32>
    %dot_general3A_87 = tpu.matmul %convert_element_type3A_82, %get3A_85, %dot_general3A_86 {dimension_numbers = #tpu.dot_dimension_numbers<[1], [0], [0], [1], [0, 0, 1, 1], [], []>, transpose_lhs_hint = false} : vector<3200x128xbf16>, vector<128x32xbf16>, vector<3200x32xf32> -> vector<3200x32xf32>
    %add3A_88 = arith.addf %add3A_75, %dot_general3A_87 : vector<3200x32xf32>
    %get3A_89 = arith.constant 0 : index
    %get3A_90 = arith.constant 640 : index
    %get3A_91 = vector.load %arg6[%get3A_89, %get3A_90] : memref<128x1280xbf16, #tpu.memory_space<vmem>>, vector<128x128xbf16>
    %dot_general3A_92 = arith.constant dense<0.000000e+00> : vector<3200x128xf32>
    %dot_general3A_93 = tpu.matmul %convert_element_type3A, %get3A_91, %dot_general3A_92 {dimension_numbers = #tpu.dot_dimension_numbers<[1], [0], [0], [1], [0, 0, 1, 1], [], []>, transpose_lhs_hint = false} : vector<3200x128xbf16>, vector<128x128xbf16>, vector<3200x128xf32> -> vector<3200x128xf32>
    %mul3A_94 = arith.mulf %dot_general3A_93, %concatenate3A : vector<3200x128xf32>
    %convert_element_type3A_95 = arith.truncf %mul3A_94 : vector<3200x128xf32> to vector<3200x128xbf16>
    %get3A_96 = arith.constant 640 : index
    %get3A_97 = arith.constant 0 : index
    %get3A_98 = vector.load %arg7[%get3A_96, %get3A_97] : memref<1280x32xbf16, #tpu.memory_space<vmem>>, vector<128x32xbf16>
    %dot_general3A_99 = arith.constant dense<0.000000e+00> : vector<3200x32xf32>
    %dot_general3A_100 = tpu.matmul %convert_element_type3A_95, %get3A_98, %dot_general3A_99 {dimension_numbers = #tpu.dot_dimension_numbers<[1], [0], [0], [1], [0, 0, 1, 1], [], []>, transpose_lhs_hint = false} : vector<3200x128xbf16>, vector<128x32xbf16>, vector<3200x32xf32> -> vector<3200x32xf32>
    %add3A_101 = arith.addf %add3A_88, %dot_general3A_100 : vector<3200x32xf32>
    %get3A_102 = arith.constant 0 : index
    %get3A_103 = arith.constant 768 : index
    %get3A_104 = vector.load %arg6[%get3A_102, %get3A_103] : memref<128x1280xbf16, #tpu.memory_space<vmem>>, vector<128x128xbf16>
    %dot_general3A_105 = arith.constant dense<0.000000e+00> : vector<3200x128xf32>
    %dot_general3A_106 = tpu.matmul %convert_element_type3A, %get3A_104, %dot_general3A_105 {dimension_numbers = #tpu.dot_dimension_numbers<[1], [0], [0], [1], [0, 0, 1, 1], [], []>, transpose_lhs_hint = false} : vector<3200x128xbf16>, vector<128x128xbf16>, vector<3200x128xf32> -> vector<3200x128xf32>
    %mul3A_107 = arith.mulf %dot_general3A_106, %concatenate3A : vector<3200x128xf32>
    %convert_element_type3A_108 = arith.truncf %mul3A_107 : vector<3200x128xf32> to vector<3200x128xbf16>
    %get3A_109 = arith.constant 768 : index
    %get3A_110 = arith.constant 0 : index
    %get3A_111 = vector.load %arg7[%get3A_109, %get3A_110] : memref<1280x32xbf16, #tpu.memory_space<vmem>>, vector<128x32xbf16>
    %dot_general3A_112 = arith.constant dense<0.000000e+00> : vector<3200x32xf32>
    %dot_general3A_113 = tpu.matmul %convert_element_type3A_108, %get3A_111, %dot_general3A_112 {dimension_numbers = #tpu.dot_dimension_numbers<[1], [0], [0], [1], [0, 0, 1, 1], [], []>, transpose_lhs_hint = false} : vector<3200x128xbf16>, vector<128x32xbf16>, vector<3200x32xf32> -> vector<3200x32xf32>
    %add3A_114 = arith.addf %add3A_101, %dot_general3A_113 : vector<3200x32xf32>
    %get3A_115 = arith.constant 0 : index
    %get3A_116 = arith.constant 896 : index
    %get3A_117 = vector.load %arg6[%get3A_115, %get3A_116] : memref<128x1280xbf16, #tpu.memory_space<vmem>>, vector<128x128xbf16>
    %dot_general3A_118 = arith.constant dense<0.000000e+00> : vector<3200x128xf32>
    %dot_general3A_119 = tpu.matmul %convert_element_type3A, %get3A_117, %dot_general3A_118 {dimension_numbers = #tpu.dot_dimension_numbers<[1], [0], [0], [1], [0, 0, 1, 1], [], []>, transpose_lhs_hint = false} : vector<3200x128xbf16>, vector<128x128xbf16>, vector<3200x128xf32> -> vector<3200x128xf32>
    %mul3A_120 = arith.mulf %dot_general3A_119, %concatenate3A : vector<3200x128xf32>
    %convert_element_type3A_121 = arith.truncf %mul3A_120 : vector<3200x128xf32> to vector<3200x128xbf16>
    %get3A_122 = arith.constant 896 : index
    %get3A_123 = arith.constant 0 : index
    %get3A_124 = vector.load %arg7[%get3A_122, %get3A_123] : memref<1280x32xbf16, #tpu.memory_space<vmem>>, vector<128x32xbf16>
    %dot_general3A_125 = arith.constant dense<0.000000e+00> : vector<3200x32xf32>
    %dot_general3A_126 = tpu.matmul %convert_element_type3A_121, %get3A_124, %dot_general3A_125 {dimension_numbers = #tpu.dot_dimension_numbers<[1], [0], [0], [1], [0, 0, 1, 1], [], []>, transpose_lhs_hint = false} : vector<3200x128xbf16>, vector<128x32xbf16>, vector<3200x32xf32> -> vector<3200x32xf32>
    %add3A_127 = arith.addf %add3A_114, %dot_general3A_126 : vector<3200x32xf32>
    %get3A_128 = arith.constant 0 : index
    %get3A_129 = arith.constant 1024 : index
    %get3A_130 = vector.load %arg6[%get3A_128, %get3A_129] : memref<128x1280xbf16, #tpu.memory_space<vmem>>, vector<128x128xbf16>
    %dot_general3A_131 = arith.constant dense<0.000000e+00> : vector<3200x128xf32>
    %dot_general3A_132 = tpu.matmul %convert_element_type3A, %get3A_130, %dot_general3A_131 {dimension_numbers = #tpu.dot_dimension_numbers<[1], [0], [0], [1], [0, 0, 1, 1], [], []>, transpose_lhs_hint = false} : vector<3200x128xbf16>, vector<128x128xbf16>, vector<3200x128xf32> -> vector<3200x128xf32>
    %mul3A_133 = arith.mulf %dot_general3A_132, %concatenate3A : vector<3200x128xf32>
    %convert_element_type3A_134 = arith.truncf %mul3A_133 : vector<3200x128xf32> to vector<3200x128xbf16>
    %get3A_135 = arith.constant 1024 : index
    %get3A_136 = arith.constant 0 : index
    %get3A_137 = vector.load %arg7[%get3A_135, %get3A_136] : memref<1280x32xbf16, #tpu.memory_space<vmem>>, vector<128x32xbf16>
    %dot_general3A_138 = arith.constant dense<0.000000e+00> : vector<3200x32xf32>
    %dot_general3A_139 = tpu.matmul %convert_element_type3A_134, %get3A_137, %dot_general3A_138 {dimension_numbers = #tpu.dot_dimension_numbers<[1], [0], [0], [1], [0, 0, 1, 1], [], []>, transpose_lhs_hint = false} : vector<3200x128xbf16>, vector<128x32xbf16>, vector<3200x32xf32> -> vector<3200x32xf32>
    %add3A_140 = arith.addf %add3A_127, %dot_general3A_139 : vector<3200x32xf32>
    %get3A_141 = arith.constant 0 : index
    %get3A_142 = arith.constant 1152 : index
    %get3A_143 = vector.load %arg6[%get3A_141, %get3A_142] : memref<128x1280xbf16, #tpu.memory_space<vmem>>, vector<128x128xbf16>
    %dot_general3A_144 = arith.constant dense<0.000000e+00> : vector<3200x128xf32>
    %dot_general3A_145 = tpu.matmul %convert_element_type3A, %get3A_143, %dot_general3A_144 {dimension_numbers = #tpu.dot_dimension_numbers<[1], [0], [0], [1], [0, 0, 1, 1], [], []>, transpose_lhs_hint = false} : vector<3200x128xbf16>, vector<128x128xbf16>, vector<3200x128xf32> -> vector<3200x128xf32>
    %mul3A_146 = arith.mulf %dot_general3A_145, %concatenate3A : vector<3200x128xf32>
    %convert_element_type3A_147 = arith.truncf %mul3A_146 : vector<3200x128xf32> to vector<3200x128xbf16>
    %get3A_148 = arith.constant 1152 : index
    %get3A_149 = arith.constant 0 : index
    %get3A_150 = vector.load %arg7[%get3A_148, %get3A_149] : memref<1280x32xbf16, #tpu.memory_space<vmem>>, vector<128x32xbf16>
    %dot_general3A_151 = arith.constant dense<0.000000e+00> : vector<3200x32xf32>
    %dot_general3A_152 = tpu.matmul %convert_element_type3A_147, %get3A_150, %dot_general3A_151 {dimension_numbers = #tpu.dot_dimension_numbers<[1], [0], [0], [1], [0, 0, 1, 1], [], []>, transpose_lhs_hint = false} : vector<3200x128xbf16>, vector<128x32xbf16>, vector<3200x32xf32> -> vector<3200x32xf32>
    %add3A_153 = arith.addf %add3A_140, %dot_general3A_152 : vector<3200x32xf32>
    %swap3A = arith.constant 0 : index
    %swap3A_154 = arith.constant 0 : index
    %swap3A_155 = vector.load %arg9[%swap3A, %swap3A_154] : memref<3200x32xf32, #tpu.memory_space<vmem>>, vector<3200x32xf32>
    tpu.vector_store %arg9[%swap3A, %swap3A_154], %add3A_153 {strides = array<i32>} : memref<3200x32xf32, #tpu.memory_space<vmem>>, vector<3200x32xf32>,
    return
  }
  func.func @transform_0(%arg0: i32) -> (i32, i32) {
    %add3A = arith.constant 25 : i32
    %add3A_0 = arith.addi %arg0, %add3A : i32
    %c0_i32 = arith.constant 0 : i32
    %c0_i32_1 = arith.constant 0 : i32
    return %c0_i32, %add3A_0 : i32, i32
  }
  func.func @transform_1(%arg0: i32) -> (i32, i32) {
    %add3A = arith.constant 25 : i32
    %add3A_0 = arith.addi %arg0, %add3A : i32
    %c0_i32 = arith.constant 0 : i32
    %c0_i32_1 = arith.constant 0 : i32
    return %add3A_0, %c0_i32 : i32, i32
  }
  func.func @transform_2(%arg0: i32) -> (i32, i32) {
    %c0_i32 = arith.constant 0 : i32
    %c0_i32_0 = arith.constant 0 : i32
    %c0_i32_1 = arith.constant 0 : i32
    return %c0_i32, %c0_i32_0 : i32, i32
  }
  func.func @transform_3(%arg0: i32) -> (i32, i32) {
    %c0_i32 = arith.constant 0 : i32
    %c0_i32_0 = arith.constant 0 : i32
    %c0_i32_1 = arith.constant 0 : i32
    return %c0_i32, %c0_i32_0 : i32, i32
  }
  func.func @transform_4(%arg0: i32) -> (i32, i32) {
    %c0_i32 = arith.constant 0 : i32
    %c0_i32_0 = arith.constant 0 : i32
    %c0_i32_1 = arith.constant 0 : i32
    return %c0_i32, %c0_i32_0 : i32, i32
  }
  func.func @transform_5(%arg0: i32) -> (i32, i32) {
    %c0_i32 = arith.constant 0 : i32
    %c0_i32_0 = arith.constant 0 : i32
    %c0_i32_1 = arith.constant 0 : i32
    return %c0_i32, %c0_i32_0 : i32, i32
  }
  func.func @transform_6(%arg0: i32) -> (i32, i32) {
    %c0_i32 = arith.constant 0 : i32
    %c0_i32_0 = arith.constant 0 : i32
    %c0_i32_1 = arith.constant 0 : i32
    return %c0_i32, %c0_i32_0 : i32, i32
  }
  func.func @transform_7(%arg0: i32) -> (i32, i32) {
    %c0_i32 = arith.constant 0 : i32
    %c0_i32_0 = arith.constant 0 : i32
    %c0_i32_1 = arith.constant 0 : i32
    return %c0_i32, %c0_i32_0 : i32, i32
  }
  func.func @transform_8(%arg0: i32) -> (i32, i32) {
    %c0_i32 = arith.constant 0 : i32
    %c0_i32_0 = arith.constant 0 : i32
    return %arg0, %c0_i32 : i32, i32
  }
}

module attributes {stable_mosaic.version = 14 : i64} {
  func.func @_final_body(%arg0: i32, %arg1: memref<2000x32xf32, #tpu.memory_space<vmem>>, %arg2: memref<2000x32xf32, #tpu.memory_space<vmem>>, %arg3: memref<2000x32xf32, #tpu.memory_space<vmem>>, %arg4: memref<2000x1xi32, #tpu.memory_space<vmem>>, %arg5: memref<32x256xf32, #tpu.memory_space<vmem>>, %arg6: memref<1x256xf32, #tpu.memory_space<vmem>>, %arg7: memref<256x16xf32, #tpu.memory_space<vmem>>, %arg8: memref<1x16xf32, #tpu.memory_space<vmem>>, %arg9: memref<64x16xf32, #tpu.memory_space<vmem>>, %arg10: memref<64x32xf32, #tpu.memory_space<vmem>>) attributes {dimension_semantics = [#tpu.dimension_semantics<arbitrary>], iteration_bounds = array<i64: 5>, scalar_prefetch = 0 : i64, scratch_operands = 1 : i64, tpu.core_type = #tpu.core_type<tc>, window_params = [{transform_indices = @transform_0, window_bounds = array<i64: 2000, 32>}, {transform_indices = @transform_1, window_bounds = array<i64: 2000, 32>}, {transform_indices = @transform_2, window_bounds = array<i64: 2000, 32>}, {transform_indices = @transform_3, window_bounds = array<i64: 2000, 1>}, {pipeline_mode = #tpu.pipeline_mode<synchronous>, transform_indices = @transform_4, window_bounds = array<i64: 32, 256>}, {pipeline_mode = #tpu.pipeline_mode<synchronous>, transform_indices = @transform_5, window_bounds = array<i64: 1, 256>}, {pipeline_mode = #tpu.pipeline_mode<synchronous>, transform_indices = @transform_6, window_bounds = array<i64: 256, 16>}, {pipeline_mode = #tpu.pipeline_mode<synchronous>, transform_indices = @transform_7, window_bounds = array<i64: 1, 16>}, {pipeline_mode = #tpu.pipeline_mode<synchronous>, transform_indices = @transform_8, window_bounds = array<i64: 64, 16>}]} {
    %get3A = arith.constant 0 : index
    %get3A_0 = arith.constant 0 : index
    %get3A_1 = vector.load %arg1[%get3A, %get3A_0] : memref<2000x32xf32, #tpu.memory_space<vmem>>, vector<2000x32xf32>
    %get3A_2 = arith.constant 0 : index
    %get3A_3 = arith.constant 0 : index
    %get3A_4 = vector.load %arg2[%get3A_2, %get3A_3] : memref<2000x32xf32, #tpu.memory_space<vmem>>, vector<2000x32xf32>
    %add3A = arith.addf %get3A_1, %get3A_4 : vector<2000x32xf32>
    %get3A_5 = arith.constant 0 : index
    %get3A_6 = arith.constant 0 : index
    %get3A_7 = vector.load %arg3[%get3A_5, %get3A_6] : memref<2000x32xf32, #tpu.memory_space<vmem>>, vector<2000x32xf32>
    %add3A_8 = arith.addf %add3A, %get3A_7 : vector<2000x32xf32>
    %iota3A = tpu.iota {dimensions = array<i32: 1>} : vector<2000x32xi32>
    %eq3A = arith.constant 20 : i32
    %eq3A_9 = vector.broadcast %eq3A : i32 to vector<2000x32xi32>
    %eq3A_10 = arith.cmpi eq, %iota3A, %eq3A_9 : vector<2000x32xi32>
    %convert_element_type3A = arith.extui %eq3A_10 : vector<2000x32xi1> to vector<2000x32xi32>
    %convert_element_type3A_11 = arith.sitofp %convert_element_type3A : vector<2000x32xi32> to vector<2000x32xf32>
    %add3A_12 = arith.addf %add3A_8, %convert_element_type3A_11 : vector<2000x32xf32>
    %iota3A_13 = tpu.iota {dimensions = array<i32: 1>} : vector<2000x64xi32>
    %get3A_14 = arith.constant 0 : index
    %get3A_15 = arith.constant 0 : index
    %get3A_16 = vector.load %arg4[%get3A_14, %get3A_15] : memref<2000x1xi32, #tpu.memory_space<vmem>>, vector<2000x1xi32>
    %eq3A_17 = vector.broadcast %get3A_16 : vector<2000x1xi32> to vector<2000x64xi32>
    %eq3A_18 = arith.cmpi eq, %eq3A_17, %iota3A_13 : vector<2000x64xi32>
    %convert_element_type3A_19 = arith.extui %eq3A_18 : vector<2000x64xi1> to vector<2000x64xi32>
    %convert_element_type3A_20 = arith.sitofp %convert_element_type3A_19 : vector<2000x64xi32> to vector<2000x64xf32>
    %dot_general3A = arith.constant dense<0.000000e+00> : vector<64x32xf32>
    %dot_general3A_21 = tpu.matmul %convert_element_type3A_20, %add3A_12, %dot_general3A {dimension_numbers = #tpu.dot_dimension_numbers<[0], [0], [1], [1], [0, 1, 1, 1], [], []>, transpose_lhs_hint = false} : vector<2000x64xf32>, vector<2000x32xf32>, vector<64x32xf32> -> vector<64x32xf32>
    %eq3A_22 = arith.constant 0 : i32
    %eq3A_23 = arith.cmpi eq, %arg0, %eq3A_22 : i32
    %convert_element_type3A_24 = arith.extui %eq3A_23 : i1 to i32
    %cond3A = arith.constant 0 : i32
    %cond3A_25 = arith.cmpi ne, %convert_element_type3A_24, %cond3A : i32
    scf.if %cond3A_25 {
      %swap3A = arith.constant 0 : index
      %swap3A_35 = arith.constant 0 : index
      %swap3A_36 = vector.load %arg10[%swap3A, %swap3A_35] : memref<64x32xf32, #tpu.memory_space<vmem>>, vector<64x32xf32>
      tpu.vector_store %arg10[%swap3A, %swap3A_35], %dot_general3A_21 {strides = array<i32>} : memref<64x32xf32, #tpu.memory_space<vmem>>, vector<64x32xf32>,
    } else {
    }
    %gt3A = arith.constant 0 : i32
    %gt3A_26 = arith.cmpi sgt, %arg0, %gt3A : i32
    %convert_element_type3A_27 = arith.extui %gt3A_26 : i1 to i32
    %cond3A_28 = arith.constant 0 : i32
    %cond3A_29 = arith.cmpi ne, %convert_element_type3A_27, %cond3A_28 : i32
    scf.if %cond3A_29 {
      %get3A_35 = arith.constant 0 : index
      %get3A_36 = arith.constant 0 : index
      %get3A_37 = vector.load %arg10[%get3A_35, %get3A_36] : memref<64x32xf32, #tpu.memory_space<vmem>>, vector<64x32xf32>
      %add3A_38 = arith.addf %get3A_37, %dot_general3A_21 : vector<64x32xf32>
      %swap3A = arith.constant 0 : index
      %swap3A_39 = arith.constant 0 : index
      %swap3A_40 = vector.load %arg10[%swap3A, %swap3A_39] : memref<64x32xf32, #tpu.memory_space<vmem>>, vector<64x32xf32>
      tpu.vector_store %arg10[%swap3A, %swap3A_39], %add3A_38 {strides = array<i32>} : memref<64x32xf32, #tpu.memory_space<vmem>>, vector<64x32xf32>,
    } else {
    }
    %eq3A_30 = arith.constant 4 : i32
    %eq3A_31 = arith.cmpi eq, %arg0, %eq3A_30 : i32
    %convert_element_type3A_32 = arith.extui %eq3A_31 : i1 to i32
    %cond3A_33 = arith.constant 0 : i32
    %cond3A_34 = arith.cmpi ne, %convert_element_type3A_32, %cond3A_33 : i32
    scf.if %cond3A_34 {
      %get3A_35 = arith.constant 0 : index
      %get3A_36 = arith.constant 0 : index
      %get3A_37 = vector.load %arg10[%get3A_35, %get3A_36] : memref<64x32xf32, #tpu.memory_space<vmem>>, vector<64x32xf32>
      %slice3A = vector.extract_strided_slice %get3A_37 {offsets = [0, 20], sizes = [64, 1], strides = [1, 1]} : vector<64x32xf32> to vector<64x1xf32>
      %max3A = arith.constant 1.000000e+00 : f32
      %max3A_38 = vector.broadcast %max3A : f32 to vector<64x1xf32>
      %max3A_39 = arith.maximumf %slice3A, %max3A_38 : vector<64x1xf32>
      %div3A = vector.broadcast %max3A_39 : vector<64x1xf32> to vector<64x32xf32>
      %div3A_40 = arith.divf %get3A_37, %div3A : vector<64x32xf32>
      %get3A_41 = arith.constant 0 : index
      %get3A_42 = arith.constant 0 : index
      %get3A_43 = vector.load %arg5[%get3A_41, %get3A_42] : memref<32x256xf32, #tpu.memory_space<vmem>>, vector<32x256xf32>
      %dot_general3A_44 = arith.constant dense<0.000000e+00> : vector<64x256xf32>
      %dot_general3A_45 = tpu.matmul %div3A_40, %get3A_43, %dot_general3A_44 {dimension_numbers = #tpu.dot_dimension_numbers<[1], [0], [0], [1], [0, 0, 1, 1], [], []>, transpose_lhs_hint = false} : vector<64x32xf32>, vector<32x256xf32>, vector<64x256xf32> -> vector<64x256xf32>
      %get3A_46 = arith.constant 0 : index
      %get3A_47 = arith.constant 0 : index
      %get3A_48 = vector.load %arg6[%get3A_46, %get3A_47] : memref<1x256xf32, #tpu.memory_space<vmem>>, vector<1x256xf32>
      %add3A_49 = vector.broadcast %get3A_48 : vector<1x256xf32> to vector<64x256xf32>
      %add3A_50 = arith.addf %dot_general3A_45, %add3A_49 : vector<64x256xf32>
      %max3A_51 = arith.constant 0.000000e+00 : f32
      %max3A_52 = vector.broadcast %max3A_51 : f32 to vector<64x256xf32>
      %max3A_53 = arith.maximumf %add3A_50, %max3A_52 : vector<64x256xf32>
      %get3A_54 = arith.constant 0 : index
      %get3A_55 = arith.constant 0 : index
      %get3A_56 = vector.load %arg7[%get3A_54, %get3A_55] : memref<256x16xf32, #tpu.memory_space<vmem>>, vector<256x16xf32>
      %dot_general3A_57 = arith.constant dense<0.000000e+00> : vector<64x16xf32>
      %dot_general3A_58 = tpu.matmul %max3A_53, %get3A_56, %dot_general3A_57 {dimension_numbers = #tpu.dot_dimension_numbers<[1], [0], [0], [1], [0, 0, 1, 1], [], []>, transpose_lhs_hint = false} : vector<64x256xf32>, vector<256x16xf32>, vector<64x16xf32> -> vector<64x16xf32>
      %get3A_59 = arith.constant 0 : index
      %get3A_60 = arith.constant 0 : index
      %get3A_61 = vector.load %arg8[%get3A_59, %get3A_60] : memref<1x16xf32, #tpu.memory_space<vmem>>, vector<1x16xf32>
      %add3A_62 = vector.broadcast %get3A_61 : vector<1x16xf32> to vector<64x16xf32>
      %add3A_63 = arith.addf %dot_general3A_58, %add3A_62 : vector<64x16xf32>
      %swap3A = arith.constant 0 : index
      %swap3A_64 = arith.constant 0 : index
      %swap3A_65 = vector.load %arg9[%swap3A, %swap3A_64] : memref<64x16xf32, #tpu.memory_space<vmem>>, vector<64x16xf32>
      tpu.vector_store %arg9[%swap3A, %swap3A_64], %add3A_63 {strides = array<i32>} : memref<64x16xf32, #tpu.memory_space<vmem>>, vector<64x16xf32>,
    } else {
    }
    return
  }
  func.func @transform_0(%arg0: i32) -> (i32, i32) {
    %c0_i32 = arith.constant 0 : i32
    %c0_i32_0 = arith.constant 0 : i32
    return %arg0, %c0_i32 : i32, i32
  }
  func.func @transform_1(%arg0: i32) -> (i32, i32) {
    %c0_i32 = arith.constant 0 : i32
    %c0_i32_0 = arith.constant 0 : i32
    return %arg0, %c0_i32 : i32, i32
  }
  func.func @transform_2(%arg0: i32) -> (i32, i32) {
    %c0_i32 = arith.constant 0 : i32
    %c0_i32_0 = arith.constant 0 : i32
    return %arg0, %c0_i32 : i32, i32
  }
  func.func @transform_3(%arg0: i32) -> (i32, i32) {
    %c0_i32 = arith.constant 0 : i32
    %c0_i32_0 = arith.constant 0 : i32
    return %arg0, %c0_i32 : i32, i32
  }
  func.func @transform_4(%arg0: i32) -> (i32, i32) {
    %c0_i32 = arith.constant 0 : i32
    %c0_i32_0 = arith.constant 0 : i32
    %c0_i32_1 = arith.constant 0 : i32
    return %c0_i32, %c0_i32_0 : i32, i32
  }
  func.func @transform_5(%arg0: i32) -> (i32, i32) {
    %c0_i32 = arith.constant 0 : i32
    %c0_i32_0 = arith.constant 0 : i32
    %c0_i32_1 = arith.constant 0 : i32
    return %c0_i32, %c0_i32_0 : i32, i32
  }
  func.func @transform_6(%arg0: i32) -> (i32, i32) {
    %c0_i32 = arith.constant 0 : i32
    %c0_i32_0 = arith.constant 0 : i32
    %c0_i32_1 = arith.constant 0 : i32
    return %c0_i32, %c0_i32_0 : i32, i32
  }
  func.func @transform_7(%arg0: i32) -> (i32, i32) {
    %c0_i32 = arith.constant 0 : i32
    %c0_i32_0 = arith.constant 0 : i32
    %c0_i32_1 = arith.constant 0 : i32
    return %c0_i32, %c0_i32_0 : i32, i32
  }
  func.func @transform_8(%arg0: i32) -> (i32, i32) {
    %c0_i32 = arith.constant 0 : i32
    %c0_i32_0 = arith.constant 0 : i32
    %c0_i32_1 = arith.constant 0 : i32
    return %c0_i32, %c0_i32_0 : i32, i32
  }
}

</mosaic_0001>

<sc_bundles>
// kernel: kernel.12.cloned.1.call-start
scs
__scs_entry_jumppad:
0x0: {  	(pc) =	sbr.rel $0x88, $3  }
0x1: {  	(tag) =	ssettag $0x0;
	lr =	simm.s32 $0x1  }
0x2: {  	[smem:$0x3F91] =	sst lr;
	_ =	strace $0xD0000000  }
0x3: {  	_ = 	snop  }
0x4: {  	_ = 	snop  }
0x5: {  	_ = 	snop  }
0x6: {  	_ = 	snop  }
0x7: {  	_ = 	snop  }
__scs_overlays_trampoline_lowered:
0x8: {  	[smem:$0x3FA0] =	sst s0  }
0x9: {  	[smem:$0x3FA1] =	sst s1  }
0xa: {  	[smem:$0x3FA2] =	sst s2  }
0xb: {  	[smem:$0x3FA3] =	sst s3  }
0xc: {  	[smem:$0x3FA4] =	sst s4  }
0xd: {  	[smem:$0x3FA5] =	sst s5  }
0xe: {  	[smem:$0x3FA6] =	sst s6  }
0xf: {  	[smem:$0x3FA7] =	sst s7  }
0x10: {  	[smem:$0x3FA8] =	sst s8  }
0x11: {  	[smem:$0x3FA9] =	sst s9;
	s0 =	simm.s32 @!p0 $0x0  }
0x12: {  	s1 =	sld [smem:$0x3F8F];
	s0 =	simm.s32 @p0 $0x1  }
0x13: {  	[smem:$0x3FAA] =	sst s0;
	s0 =	simm.s32 @!p1 $0x0  }
0x14: {  	s2 =	sld [smem:$0x3F8E];
	s0 =	simm.s32 @p1 $0x1  }
0x15: {  	[smem:$0x3FAB] =	sst s0;
	s0 =	simm.s32 @!p2 $0x0  }
0x16: {  	s3 =	sld [smem:$0x3FDB];
	s0 =	simm.s32 @p2 $0x1  }
0x17: {  	s4 =	simm.s32 $0x1BF5;
	[smem:$0x3FAD] =	sst s0  }
0x18: {  	s0 =	sld [smem:$0x3F90];
	_ =	swait.ge [sflag:s4], $0x0  }
0x19: {  	s7 =	sld [smem:$0x3F91]  }
0x1a: {  	s8 =	sadd.s32 $0xFFFFE003, lr  }
0x1b: {  	s9 =	sadd.s32 $0xFFFFFEF7, lr;
	s5 =	simm.s32 $0xFFFFFFFF;
	p2 =	slt.u32 s8, $0xFFFFF086  }
0x1c: {  	p1 =	slt.u32 s9, $0xF7A;
	s5 =	simm.s32 @!p2 $0x0  }
0x1d: {  	s5 =	simm.s32 @p1 $0x1;
	p0 =	seq.s32 s7, s2  }
0x1e: {  	s7 =	smul.u32 @!p0 $0xF7A, s2;
	p2 =	seq.s32 @!p0 s5, $0x0  }
0x1f: {  	s9 =	smul.u32 $0xF7A, s1;
	s8 =	simm.s32 @!p0 $0x1BF5;
	p2 =	por !p2, p0  }
0x20: {  	[sflag:s8] =	ssyncset.s32 @!p0 $0xFFFFF086;
	s6 =	sadd.s32 @!p0 s3, s7;
	s7 =	simm.s32 @!p0 $0x108  }
0x21: {  	s3 =	sadd.s32 s3, s9;
	s6 =	sadd.s32 @!p0 $0x88, s6;
	s7 =	simm.s32 @p2 $0x1082  }
0x22: {  	[simem:s7], [sflag:s8] =	dma.local @!p0 [hbm:s6], $0xF7A  }
0x23: {  	s9 =	sor.u32 $0xD0000000, s2;
	s6 =	simm.s32 $0x108;
	_ =	swait.ge @!p0 [sflag:s8], $0x0  }
0x24: {  	s3 =	sadd.s32 $0x88, s3;
	s6 =	simm.s32 @!p1 $0x1082;
	[sflag:s4] =	ssyncset.s32 $0xFFFFF086  }
0x25: {  	[simem:s6], [sflag:s4] =	dma.local [hbm:s3], $0xF7A  }
0x26: {  	[smem:$0x3F91] =	sst s1;
	(tag) =	ssettag s2;
	_ =	strace s9  }
0x27: {  	s1 =	sld [smem:$0x3FA1]  }
0x28: {  	s2 =	sld [smem:$0x3FA2]  }
0x29: {  	s4 =	sld [smem:$0x3FA4]  }
0x2a: {  	p0 =	seq.s32 s5, $0x0;
	s5 =	sld [smem:$0x3FA5]  }
0x2b: {  	s6 =	sld [smem:$0x3FA6]  }
0x2c: {  	s7 =	sld [smem:$0x3FA7]  }
0x2d: {  	s3 =	simm.s32 $0x108;
	s8 =	sld [smem:$0x3FA8]  }
0x2e: {  	s3 =	simm.s32 @!p0 $0x1082;
	s9 =	sld [smem:$0x3FA9]  }
0x2f: {  	lr =	sadd.s32 s0, s3;
	s0 =	sld [smem:$0x3FA0]  }
0x30: {  	s3 =	sld [smem:$0x3FA3]  }
0x31: {  	[smem:$0x3FAC] =	sst s10  }
0x32: {  	s10 =	sld [smem:$0x3FAA];
	_ =	sdelay $0x3  }
0x33: {  	p0 =	seq.s32 s10, $0x1;
	s10 =	sld [smem:$0x3FAC];
	_ =	sdelay $0x3  }
0x34: {  	[smem:$0x3FAC] =	sst s10  }
0x35: {  	s10 =	sld [smem:$0x3FAB];
	_ =	sdelay $0x3  }
0x36: {  	p1 =	seq.s32 s10, $0x1;
	s10 =	sld [smem:$0x3FAC];
	_ =	sdelay $0x3  }
0x37: {  	[smem:$0x3FAC] =	sst s10  }
0x38: {  	s10 =	sld [smem:$0x3FAD]  }
0x39: {  	_ = 	snop;
	(pc) =	sbr.ind lr, $3  }
0x3a: {  	_ = 	snop  }
0x3b: {  	_ = 	snop  }
0x3c: {  	p2 =	seq.s32 s10, $0x1;
	s10 =	sld [smem:$0x3FAC]  }
0x3d: {  	_ =	shalt  }
0x3e: {  	_ =	shalt  }
0x3f: {  	_ =	shalt  }
0x40: {  	_ =	shalt  }
0x41: {  	_ =	shalt  }
0x42: {  	_ =	shalt  }
0x43: {  	_ =	shalt  }
0x44: {  	_ =	shalt  }
0x45: {  	_ =	shalt  }
0x46: {  	_ =	shalt  }
0x47: {  	_ =	shalt  }
0x48: {  	_ =	shalt  }
0x49: {  	_ =	shalt  }
0x4a: {  	_ =	shalt  }
0x4b: {  	_ =	shalt  }
0x4c: {  	_ =	shalt  }
0x4d: {  	_ =	shalt  }
0x4e: {  	_ =	shalt  }
0x4f: {  	_ =	shalt  }
0x50: {  	_ =	shalt  }
0x51: {  	_ =	shalt  }
0x52: {  	_ =	shalt  }
0x53: {  	_ =	shalt  }
0x54: {  	_ =	shalt  }
0x55: {  	_ =	shalt  }
0x56: {  	_ =	shalt  }
0x57: {  	_ =	shalt  }
0x58: {  	_ =	shalt  }
0x59: {  	_ =	shalt  }
0x5a: {  	_ =	shalt  }
0x5b: {  	_ =	shalt  }
0x5c: {  	_ =	shalt  }
0x5d: {  	_ =	shalt  }
0x5e: {  	_ =	shalt  }
0x5f: {  	_ =	shalt  }
0x60: {  	_ =	shalt  }
0x61: {  	_ =	shalt  }
0x62: {  	_ =	shalt  }
0x63: {  	_ =	shalt  }
0x64: {  	_ =	shalt  }
0x65: {  	_ =	shalt  }
0x66: {  	_ =	shalt  }
0x67: {  	_ =	shalt  }
0x68: {  	_ =	shalt  }
0x69: {  	_ =	shalt  }
0x6a: {  	_ =	shalt  }
0x6b: {  	_ =	shalt  }
0x6c: {  	_ =	shalt  }
0x6d: {  	_ =	shalt  }
0x6e: {  	_ =	shalt  }
0x6f: {  	_ =	shalt  }
0x70: {  	_ =	shalt  }
0x71: {  	_ =	shalt  }
0x72: {  	_ =	shalt  }
0x73: {  	_ =	shalt  }
0x74: {  	_ =	shalt  }
0x75: {  	_ =	shalt  }
0x76: {  	_ =	shalt  }
0x77: {  	_ =	shalt  }
0x78: {  	_ =	shalt  }
0x79: {  	_ =	shalt  }
0x7a: {  	_ =	shalt  }
0x7b: {  	_ =	shalt  }
0x7c: {  	_ =	shalt  }
0x7d: {  	_ =	shalt  }
0x7e: {  	_ =	shalt  }
0x7f: {  	_ =	shalt  }
0x80: {  	_ =	shalt  }
0x81: {  	_ =	shalt  }
0x82: {  	_ =	shalt  }
0x83: {  	_ =	shalt  }
0x84: {  	_ =	shalt  }
0x85: {  	_ =	shalt  }
0x86: {  	_ =	shalt  }
0x87: {  	_ =	shalt  }
.Lfunc_end0:
.L_simem_size_0:
called_computation.1_lowered:
.L_overlay_start_0:
0x88: {  	s2 =	sld [smem:$0x3FD9]  }
0x89: {  	s3 =	sld [smem:$0x3FFE];
	_ =	sdelay $0x1  }
0x8a: {  	s1 =	srdreg.scid  }
0x8b: {  	s0 =	sand.u32 $0x1, s1  }
0x8c: {  	s16 =	sshll.u32 s0, $0xA;
	s2 =	sadd.s32 s3, s2  }
0x8d: {  	s2 =	sadd.s32 s2, s16  }
0x8e: {  	[smem:$0x3FB8] =	sst s2  }
0x8f: {  	_ = 	snop  }
0x90: {  	(tm) =	ssettm $0x1  }
0x91: {  	s17 =	sld [smem:$0x3FFB];
	_ =	sdelay $0x3  }
0x92: {  	_ =	strace s17  }
0x93: {  	s2 =	sld [smem:$0x3FFC];
	_ =	sdelay $0x3  }
0x94: {  	_ =	strace s2  }
0x95: {  	s2 =	sld [smem:$0x3FFD];
	_ =	sdelay $0x3  }
0x96: {  	_ =	strace s2  }
0x97: {  	_ =	strace $0x8FFFFFFF  }
0x98: {  	s18 =	sld [smem:$0x3FDB];
	_ =	sdelay $0x1  }
0x99: {  	s19 =	simm.s32 $_scs_section_size  }
0x9a: {  	s4 =	simm.s32 $_size__tile_overlayer_lowered;
	s5 =	simm.s32 $_tile_overlayer_lowered  }
0x9b: {  	s22 =	simm.s32 $0x1BFF;
	s21 =	sshll.u32 s5, $0x1;
	s2 =	sadd.s32 s19, s18  }
0x9c: {  	s6 =	simm.s32 $0x0;
	s20 =	sshll.u32 s4, $0x1;
	s4 =	sadd.s32 s21, s2  }
0x9d: {  	[timem:s6], [sflag:s22] =	dma.local [hbm:s4], s20  }
0x9e: {  	_ =	swait.ge [sflag:s22], s20  }
0x9f: {  	s3 =	ssub.s32 $0x0, s20;
	[sflag:s22] =	ssyncset.done $0x0  }
0xa0: {  	[sflag:s22] =	ssyncadd.s32 s3;
	_ =	sdelay $0x1  }
0xa1: {  	s23 =	simm.s32 $0x1B8B  }
0xa2: {  	_ =	swait.ge [sflag:s23], $0x1  }
0xa3: {  	[sflag:s23] =	ssyncset.done $0x0  }
0xa4: {  	s25 =	simm.s32 $0x1B8E;
	s24 =	sld [smem:$0x3FFE];
	[sflag:s23] =	ssyncadd.s32 $0xFFFFFFFF  }
0xa5: {  	s26 =	simm.s32 $execute0_lowered;
	[smem:$0x3FD2] =	sst s25  }
0xa6: {  	s4 =	sshll.u32 s26, $0x1;
	_ =	strace $0x80000049;
	[dreg:$0x1] =	wrdreg $0xFFFFFFFF  }
0xa7: {  	s28 =	simm.s32 $_size_execute0_lowered;
	s2 =	sadd.s32 s2, s4;
	[dreg:$0x0] =	wrdreg $0x0  }
0xa8: {  	s4 =	sshll.u32 s28, $0x1;
	[dreg:$0x2] =	wrdreg s2  }
0xa9: {  	[dreg:$0x3] =	wrdreg s4  }
0xaa: {  	[dreg:$0x4] =	wrdreg $0xC0  }
0xab: {  	_ =	task [dreg:s6], $0x5FFFF  }
0xac: {  	[dreg:$0x1] =	wrdreg $0xFFFFFFFF  }
0xad: {  	[dreg:$0x0] =	wrdreg $0x60  }
0xae: {  	[dreg:$0x2] =	wrdreg s24  }
0xaf: {  	[dreg:$0x3] =	wrdreg $0x19A00  }
0xb0: {  	[dreg:$0x4] =	wrdreg $0x9  }
0xb1: {  	_ =	task.clear_ibuf [dreg:s6], $0x5FFFF;
	_ =	strace $0x90000049  }
0xb2: {  	s29 =	simm.s32 $0x9;
	_ =	strace $0x8000004B  }
0xb3: {  	_ =	swait.ge [sflag:s29], $0x1  }
0xb4: {  	[sflag:s29] =	ssyncadd.s32 $0xFFFFFFFF  }
0xb5: {  	_ =	strace $0x9000004B  }
0xb6: {  	_ =	sfence  }
0xb7: {  	s30 =	sld [smem:$0x0];
	_ =	sdelay $0x2  }
0xb8: {  	s31 =	sshll.u32 s1, $0xD;
	s1 =	sshrl.u32 s1, $0x2  }
0xb9: {  	s3 =	sand.u32 $0x4000, s31;
	s1 =	sadd.s32 s1, s30  }
0xba: {  	s0 =	sor.u32 s3, s0;
	s1 =	sshll.u32 s1, $0x11  }
0xbb: {  	s0 =	sor.u32 s1, s0  }
0xbc: {  	s0 =	sadd.s32 $0x8F2B, s0  }
0xbd: {  	[sflag:s0] =	ssyncadd.remote.s32 $0x1  }
0xbe: {  	_ =	sfence.sel $0xFFFF  }
0xbf: {  	[dreg:$0x0] =	wrdreg $0xFFFFFFFF;
	(pc) =	sbr.abs _section_cstart, $3  }
0xc0: {  	[dreg:$0x1] =	wrdreg $0xFFFFFFFF  }
0xc1: {  	_ =	task.clear_ibuf [dreg:s6], $0x2FFFF;
	_ =	strace $0x9FFFFFFF  }
0xc2: {  	(tm) =	ssettm $0x7FFFFFFF  }
0xc3: {  	_ =	shalt  }
tec
execute0_lowered:
.L_overlay_start_1:
0x0: {  	(tag) =	ssettag $0x1  }
0x1: {  	s4 =	rddreg [dreg:$0x0]  }
0x2: {  	s2 =	rddreg [dreg:$0x1]  }
0x3: {  	s0 =	rddreg [dreg:$0x2]  }
0x4: {  	s1 =	stileid.u32;
	s5 =	srdreg.scid  }
0x5: {  	s3 =	simm.s32 $0x0;
	s13 =	simm.s32 $0x7D;
	s14 =	simm.s32 $0x0  }
0x6: {  	s5 =	sand.u32 $0x1, s5;
	s6 =	smul.u32 $0x5000, s1;
	[smem:$0x7FF] =	sst s3  }
0x7: {  	s7 =	sshll.u32 s1, $0x1;
	s9 =	smul.u32 $0x4E20, s1;
	s31 =	sshll.u32 s1, $0x6  }
0x8: {  	s8 =	smul.u32 $0x50000, s5;
	_ =	strace $0x8000004A;
	s7 =	sor.u32 s5, s7  }
0x9: {  	s10 =	ssub.s32 $0x2, s5;
	s12 =	smul.u32 $0x2710, s5;
	s5 =	sor.u32 $0x1C01, s31  }
0xa: {  	s7 =	smul.u32 $0x140, s7;
	s9 =	sadd.s32 s9, s4;
	s11 =	sshrl.u32 s10, $0x1  }
0xb: {  	s30 =	sadd.s32 s6, s2;
	s8 =	sadd.s32 s6, s8;
	s10 =	ssub.s32 s10, s11  }
0xc: {  	s9 =	sadd.s32 s12, s9;
	s11 =	simm.s32 $0x1;
	s8 =	sshrl.u32 s8, $0x3  }
0xd: {  	s7 =	sadd.s32 s7, s4;
	s9 =	sadd.s32 $0x3E0800, s9;
	s8 =	sadd.s32 s8, s4  }
0xe: {  	s12 =	simm.s32 $0xA00;
	s6 =	sadd.s32 $0x27E600, s7;
	s4 =	sadd.s32 $0x2A8000, s8  }
0xf: {  	s7 =	sadd.s32 $0x2BC000, s8;
	s8 =	smax.u32 s10, $0x1;
	s10 =	sshrl.u32 s30, $0x3  }
.LBB2_1:
0x10: {  	[spmem:s10], [sflag:s5] =	dma.local [hbm:s4], $0xA00  }
0x11: {  	_ =	swait.ge [sflag:s11], $0xA00  }
0x12: {  	[sflag:s11] =	ssyncset.done $0x0  }
0x13: {  	[sflag:s11] =	ssyncadd.s32 $0xFFFFF600  }
0x14: {  	[tilespmem:s3], [sflag:$0x1] =	stream.linear.gather [hbm4b:s6+s3], $0xA00, $0x38;
	[tilespmem:$0x69A0] =	vst v63  }
0x15: {  	_ =	swait.ge [sflag:s11], $0xA00  }
0x16: {  	[sflag:s11] =	ssyncset.done $0x0  }
0x17: {  	[sflag:s11] =	ssyncadd.s32 $0xFFFFF600  }
0x18: {  	s15 =	sadd.s32 $0x0, s9;
	[bflag:$0x0] =	sbarrier.arrive $0xFFFF  }
0x19: {  	[tilespmem:s12], [sflag:$0x1] =	stream.linear.gather [hbm4b:s15+s3], $0xFA0, $0x38;
	[tilespmem:$0x69A0] =	vst v63  }
0x1a: {  	_ =	swait.ge [sflag:s11], $0xFA0  }
0x1b: {  	[sflag:s11] =	ssyncset.done $0x0  }
0x1c: {  	[sflag:s11] =	ssyncadd.s32 $0xFFFFF060  }
0x1d: {  	[spmem:s2] =	stream.indirect.scatter.add.f32 [tilespmem:s12], [sflag:$0x1], $0x20, s3, s13, $0xb8;
	[tilespmem:$0x69A0] =	vst v63  }
0x1e: {  	s16 =	simm.s32 $0x1F4;
	_ =	swait.ge [sflag:s11], $0xFA0  }
0x1f: {  	s17 =	simm.s32 $0x3E8;
	s15 =	simm.s32 $0x80;
	[sflag:s11] =	ssyncset.done $0x0  }
.LBB2_2:
0x20: {  	s18 =	sadd.s32 s16, s9  }
0x21: {  	[sflag:s11] =	ssyncadd.s32 $0xFFFFF060;
	s16 =	smov.u32 s17;
	s19 =	sadd.s32 $0x1F4, s17  }
0x22: {  	[tilespmem:s12], [sflag:$0x1] =	stream.linear.gather [hbm4b:s18+s3], $0xFA0, $0x38;
	[tilespmem:$0x69A0] =	vst v63  }
0x23: {  	p0 =	sne.s32 s17, $0x251C;
	_ =	swait.ge [sflag:s11], $0xFA0  }
.Ltmp0:
0x24: {  	[sflag:s11] =	ssyncset.done $0x0;
	(pc) =	sbr.rel @p0 .LBB2_2-.Ltmp0, $4  }
0x25: {  	[sflag:s11] =	ssyncadd.s32 $0xFFFFF060  }
0x26: {  	[spmem:s2] =	stream.indirect.scatter.add.f32 [tilespmem:s12], [sflag:$0x1], $0x20, s15, s13, $0xb8;
	[tilespmem:$0x69A0] =	vst v63  }
0x27: {  	_ =	swait.ge [sflag:s11], $0xFA0  }
0x28: {  	s17 =	smov.u32 s19;
	s15 =	sadd.s32 $0x80, s15;
	[sflag:s11] =	ssyncset.done $0x0  }
0x29: {  	s16 =	sadd.s32 s16, s9;
	[sflag:s11] =	ssyncadd.s32 $0xFFFFF060  }
0x2a: {  	[tilespmem:s12], [sflag:$0x1] =	stream.linear.gather [hbm4b:s16+s3], $0xFA0, $0x38;
	[tilespmem:$0x69A0] =	vst v63  }
0x2b: {  	_ =	swait.ge [sflag:s11], $0xFA0  }
0x2c: {  	[sflag:s11] =	ssyncset.done $0x0  }
0x2d: {  	[sflag:s11] =	ssyncadd.s32 $0xFFFFF060  }
0x2e: {  	[spmem:s2] =	stream.indirect.scatter.add.f32 [tilespmem:s12], [sflag:$0x1], $0x20, s15, s13, $0xb8;
	[tilespmem:$0x69A0] =	vst v63  }
0x2f: {  	_ =	swait.ge [sflag:s11], $0xFA0  }
0x30: {  	s14 =	sadd.s32 $0x1, s14;
	[sflag:s11] =	ssyncset.done $0x0  }
0x31: {  	p0 =	sne.s32 s14, s8;
	[sflag:s11] =	ssyncadd.s32 $0xFFFFF060  }
.Ltmp1:
0x32: {  	[bflag:$0x0] =	sbarrier.arrive $0xFFFF;
	(pc) =	sbr.rel @p0 .LBB2_1-.Ltmp1, $4  }
0x33: {  	[hbm:s7], [sflag:s5] =	dma.local [spmem:s10], $0xA00  }
0x34: {  	_ =	swait.ge [sflag:s11], $0xA00  }
0x35: {  	[sflag:s11] =	ssyncset.done $0x0  }
0x36: {  	[sflag:s11] =	ssyncadd.s32 $0xFFFFF600  }
0x37: {  	_ =	sfence.sel $0x180000  }
0x38: {  	[bflag:$0x0] =	sbarrier.arrive $0xFFFF  }
0x39: {  	p0 =	sne.s32 s1, $0x0;
	_ =	strace $0x9000004A  }
0x3a: {  	s0 =	sadd.s32 @!p0 $0x100000, s0;
	[bflag:$0x2] =	sbarrier.arrive $0xFFFF  }
0x3b: {  	[sflag:s0] =	ssyncadd.tile.s32 @!p0 $0x1;
	_ =	shalt  }
.Lfunc_end2:
_tile_overlayer_lowered:
.L_overlay_start_2:
0x3c: {  	(tag) =	ssettag $0x2  }
0x3d: {  	s0 =	rddreg [dreg:$0x0];
	s2 =	stileid.u32  }
0x3e: {  	s1 =	rddreg [dreg:$0x1];
	p0 =	sne.s32 s2, $0x0  }
0x3f: {  	s3 =	rddreg [dreg:$0x2];
	[bflag:$0x3] =	sbarrier.arrive $0xFFFF;
	s2 =	simm.s32 @!p0 $0x1C01  }
0x40: {  	[timem:s3], [sflag:s2] =	dma.local @!p0 [hbm:s0], s1  }
0x41: {  	s0 =	simm.s32 @!p0 $0x1  }
0x42: {  	_ =	swait.ge @!p0 [sflag:s0], s1  }
0x43: {  	s1 =	ssub.s32 @!p0 $0x0, s1;
	[sflag:s0] =	ssyncset.done @!p0 $0x0  }
0x44: {  	[sflag:s0] =	ssyncadd.s32 @!p0 s1  }
0x45: {  	[bflag:$0x3] =	sbarrier.arrive $0xFFFF  }
0x46: {  	_ =	shalt  }

// kernel: kernel.15.cloned.1.call-start
scs
__scs_entry_jumppad:
0x0: {  	(pc) =	sbr.rel $0x88, $3  }
0x1: {  	(tag) =	ssettag $0x0;
	lr =	simm.s32 $0x1  }
0x2: {  	[smem:$0x3F91] =	sst lr;
	_ =	strace $0xD0000000  }
0x3: {  	_ = 	snop  }
0x4: {  	_ = 	snop  }
0x5: {  	_ = 	snop  }
0x6: {  	_ = 	snop  }
0x7: {  	_ = 	snop  }
__scs_overlays_trampoline_lowered:
0x8: {  	[smem:$0x3FA0] =	sst s0  }
0x9: {  	[smem:$0x3FA1] =	sst s1  }
0xa: {  	[smem:$0x3FA2] =	sst s2  }
0xb: {  	[smem:$0x3FA3] =	sst s3  }
0xc: {  	[smem:$0x3FA4] =	sst s4  }
0xd: {  	[smem:$0x3FA5] =	sst s5  }
0xe: {  	[smem:$0x3FA6] =	sst s6  }
0xf: {  	[smem:$0x3FA7] =	sst s7  }
0x10: {  	[smem:$0x3FA8] =	sst s8  }
0x11: {  	[smem:$0x3FA9] =	sst s9;
	s0 =	simm.s32 @!p0 $0x0  }
0x12: {  	s1 =	sld [smem:$0x3F8F];
	s0 =	simm.s32 @p0 $0x1  }
0x13: {  	[smem:$0x3FAA] =	sst s0;
	s0 =	simm.s32 @!p1 $0x0  }
0x14: {  	s2 =	sld [smem:$0x3F8E];
	s0 =	simm.s32 @p1 $0x1  }
0x15: {  	[smem:$0x3FAB] =	sst s0;
	s0 =	simm.s32 @!p2 $0x0  }
0x16: {  	s3 =	sld [smem:$0x3FDB];
	s0 =	simm.s32 @p2 $0x1  }
0x17: {  	s4 =	simm.s32 $0x1BF5;
	[smem:$0x3FAD] =	sst s0  }
0x18: {  	s0 =	sld [smem:$0x3F90];
	_ =	swait.ge [sflag:s4], $0x0  }
0x19: {  	s7 =	sld [smem:$0x3F91]  }
0x1a: {  	s8 =	sadd.s32 $0xFFFFE003, lr  }
0x1b: {  	s9 =	sadd.s32 $0xFFFFFEF7, lr;
	s5 =	simm.s32 $0xFFFFFFFF;
	p2 =	slt.u32 s8, $0xFFFFF086  }
0x1c: {  	p1 =	slt.u32 s9, $0xF7A;
	s5 =	simm.s32 @!p2 $0x0  }
0x1d: {  	s5 =	simm.s32 @p1 $0x1;
	p0 =	seq.s32 s7, s2  }
0x1e: {  	s7 =	smul.u32 @!p0 $0xF7A, s2;
	p2 =	seq.s32 @!p0 s5, $0x0  }
0x1f: {  	s9 =	smul.u32 $0xF7A, s1;
	s8 =	simm.s32 @!p0 $0x1BF5;
	p2 =	por !p2, p0  }
0x20: {  	[sflag:s8] =	ssyncset.s32 @!p0 $0xFFFFF086;
	s6 =	sadd.s32 @!p0 s3, s7;
	s7 =	simm.s32 @!p0 $0x108  }
0x21: {  	s3 =	sadd.s32 s3, s9;
	s6 =	sadd.s32 @!p0 $0x88, s6;
	s7 =	simm.s32 @p2 $0x1082  }
0x22: {  	[simem:s7], [sflag:s8] =	dma.local @!p0 [hbm:s6], $0xF7A  }
0x23: {  	s9 =	sor.u32 $0xD0000000, s2;
	s6 =	simm.s32 $0x108;
	_ =	swait.ge @!p0 [sflag:s8], $0x0  }
0x24: {  	s3 =	sadd.s32 $0x88, s3;
	s6 =	simm.s32 @!p1 $0x1082;
	[sflag:s4] =	ssyncset.s32 $0xFFFFF086  }
0x25: {  	[simem:s6], [sflag:s4] =	dma.local [hbm:s3], $0xF7A  }
0x26: {  	[smem:$0x3F91] =	sst s1;
	(tag) =	ssettag s2;
	_ =	strace s9  }
0x27: {  	s1 =	sld [smem:$0x3FA1]  }
0x28: {  	s2 =	sld [smem:$0x3FA2]  }
0x29: {  	s4 =	sld [smem:$0x3FA4]  }
0x2a: {  	p0 =	seq.s32 s5, $0x0;
	s5 =	sld [smem:$0x3FA5]  }
0x2b: {  	s6 =	sld [smem:$0x3FA6]  }
0x2c: {  	s7 =	sld [smem:$0x3FA7]  }
0x2d: {  	s3 =	simm.s32 $0x108;
	s8 =	sld [smem:$0x3FA8]  }
0x2e: {  	s3 =	simm.s32 @!p0 $0x1082;
	s9 =	sld [smem:$0x3FA9]  }
0x2f: {  	lr =	sadd.s32 s0, s3;
	s0 =	sld [smem:$0x3FA0]  }
0x30: {  	s3 =	sld [smem:$0x3FA3]  }
0x31: {  	[smem:$0x3FAC] =	sst s10  }
0x32: {  	s10 =	sld [smem:$0x3FAA];
	_ =	sdelay $0x3  }
0x33: {  	p0 =	seq.s32 s10, $0x1;
	s10 =	sld [smem:$0x3FAC];
	_ =	sdelay $0x3  }
0x34: {  	[smem:$0x3FAC] =	sst s10  }
0x35: {  	s10 =	sld [smem:$0x3FAB];
	_ =	sdelay $0x3  }
0x36: {  	p1 =	seq.s32 s10, $0x1;
	s10 =	sld [smem:$0x3FAC];
	_ =	sdelay $0x3  }
0x37: {  	[smem:$0x3FAC] =	sst s10  }
0x38: {  	s10 =	sld [smem:$0x3FAD]  }
0x39: {  	_ = 	snop;
	(pc) =	sbr.ind lr, $3  }
0x3a: {  	_ = 	snop  }
0x3b: {  	_ = 	snop  }
0x3c: {  	p2 =	seq.s32 s10, $0x1;
	s10 =	sld [smem:$0x3FAC]  }
0x3d: {  	_ =	shalt  }
0x3e: {  	_ =	shalt  }
0x3f: {  	_ =	shalt  }
0x40: {  	_ =	shalt  }
0x41: {  	_ =	shalt  }
0x42: {  	_ =	shalt  }
0x43: {  	_ =	shalt  }
0x44: {  	_ =	shalt  }
0x45: {  	_ =	shalt  }
0x46: {  	_ =	shalt  }
0x47: {  	_ =	shalt  }
0x48: {  	_ =	shalt  }
0x49: {  	_ =	shalt  }
0x4a: {  	_ =	shalt  }
0x4b: {  	_ =	shalt  }
0x4c: {  	_ =	shalt  }
0x4d: {  	_ =	shalt  }
0x4e: {  	_ =	shalt  }
0x4f: {  	_ =	shalt  }
0x50: {  	_ =	shalt  }
0x51: {  	_ =	shalt  }
0x52: {  	_ =	shalt  }
0x53: {  	_ =	shalt  }
0x54: {  	_ =	shalt  }
0x55: {  	_ =	shalt  }
0x56: {  	_ =	shalt  }
0x57: {  	_ =	shalt  }
0x58: {  	_ =	shalt  }
0x59: {  	_ =	shalt  }
0x5a: {  	_ =	shalt  }
0x5b: {  	_ =	shalt  }
0x5c: {  	_ =	shalt  }
0x5d: {  	_ =	shalt  }
0x5e: {  	_ =	shalt  }
0x5f: {  	_ =	shalt  }
0x60: {  	_ =	shalt  }
0x61: {  	_ =	shalt  }
0x62: {  	_ =	shalt  }
0x63: {  	_ =	shalt  }
0x64: {  	_ =	shalt  }
0x65: {  	_ =	shalt  }
0x66: {  	_ =	shalt  }
0x67: {  	_ =	shalt  }
0x68: {  	_ =	shalt  }
0x69: {  	_ =	shalt  }
0x6a: {  	_ =	shalt  }
0x6b: {  	_ =	shalt  }
0x6c: {  	_ =	shalt  }
0x6d: {  	_ =	shalt  }
0x6e: {  	_ =	shalt  }
0x6f: {  	_ =	shalt  }
0x70: {  	_ =	shalt  }
0x71: {  	_ =	shalt  }
0x72: {  	_ =	shalt  }
0x73: {  	_ =	shalt  }
0x74: {  	_ =	shalt  }
0x75: {  	_ =	shalt  }
0x76: {  	_ =	shalt  }
0x77: {  	_ =	shalt  }
0x78: {  	_ =	shalt  }
0x79: {  	_ =	shalt  }
0x7a: {  	_ =	shalt  }
0x7b: {  	_ =	shalt  }
0x7c: {  	_ =	shalt  }
0x7d: {  	_ =	shalt  }
0x7e: {  	_ =	shalt  }
0x7f: {  	_ =	shalt  }
0x80: {  	_ =	shalt  }
0x81: {  	_ =	shalt  }
0x82: {  	_ =	shalt  }
0x83: {  	_ =	shalt  }
0x84: {  	_ =	shalt  }
0x85: {  	_ =	shalt  }
0x86: {  	_ =	shalt  }
0x87: {  	_ =	shalt  }
.Lfunc_end0:
.L_simem_size_0:
called_computation.2_lowered:
.L_overlay_start_0:
0x88: {  	s2 =	sld [smem:$0x3FD9]  }
0x89: {  	s3 =	sld [smem:$0x3FFE];
	_ =	sdelay $0x1  }
0x8a: {  	s1 =	srdreg.scid  }
0x8b: {  	s0 =	sand.u32 $0x1, s1  }
0x8c: {  	s16 =	sshll.u32 s0, $0xA;
	s2 =	sadd.s32 s3, s2  }
0x8d: {  	s2 =	sadd.s32 s2, s16  }
0x8e: {  	[smem:$0x3FB8] =	sst s2  }
0x8f: {  	_ = 	snop  }
0x90: {  	(tm) =	ssettm $0x1  }
0x91: {  	s17 =	sld [smem:$0x3FFB];
	_ =	sdelay $0x3  }
0x92: {  	_ =	strace s17  }
0x93: {  	s2 =	sld [smem:$0x3FFC];
	_ =	sdelay $0x3  }
0x94: {  	_ =	strace s2  }
0x95: {  	s2 =	sld [smem:$0x3FFD];
	_ =	sdelay $0x3  }
0x96: {  	_ =	strace s2  }
0x97: {  	_ =	strace $0x8FFFFFFF  }
0x98: {  	s18 =	sld [smem:$0x3FDB];
	_ =	sdelay $0x1  }
0x99: {  	s19 =	simm.s32 $_scs_section_size  }
0x9a: {  	s4 =	simm.s32 $_size__tile_overlayer_lowered;
	s5 =	simm.s32 $_tile_overlayer_lowered  }
0x9b: {  	s22 =	simm.s32 $0x1BFF;
	s21 =	sshll.u32 s5, $0x1;
	s2 =	sadd.s32 s19, s18  }
0x9c: {  	s6 =	simm.s32 $0x0;
	s20 =	sshll.u32 s4, $0x1;
	s4 =	sadd.s32 s21, s2  }
0x9d: {  	[timem:s6], [sflag:s22] =	dma.local [hbm:s4], s20  }
0x9e: {  	_ =	swait.ge [sflag:s22], s20  }
0x9f: {  	s3 =	ssub.s32 $0x0, s20;
	[sflag:s22] =	ssyncset.done $0x0  }
0xa0: {  	[sflag:s22] =	ssyncadd.s32 s3;
	_ =	sdelay $0x1  }
0xa1: {  	s23 =	simm.s32 $0x1B8B  }
0xa2: {  	_ =	swait.ge [sflag:s23], $0x1  }
0xa3: {  	[sflag:s23] =	ssyncset.done $0x0  }
0xa4: {  	s25 =	simm.s32 $0x1B8E;
	s24 =	sld [smem:$0x3FFE];
	[sflag:s23] =	ssyncadd.s32 $0xFFFFFFFF  }
0xa5: {  	s26 =	simm.s32 $execute0_lowered;
	[smem:$0x3FD2] =	sst s25  }
0xa6: {  	s4 =	sshll.u32 s26, $0x1;
	_ =	strace $0x8000004C;
	[dreg:$0x1] =	wrdreg $0xFFFFFFFF  }
0xa7: {  	s28 =	simm.s32 $_size_execute0_lowered;
	s2 =	sadd.s32 s2, s4;
	[dreg:$0x0] =	wrdreg $0x0  }
0xa8: {  	s4 =	sshll.u32 s28, $0x1;
	[dreg:$0x2] =	wrdreg s2  }
0xa9: {  	[dreg:$0x3] =	wrdreg s4  }
0xaa: {  	[dreg:$0x4] =	wrdreg $0xC0  }
0xab: {  	_ =	task [dreg:s6], $0x5FFFF  }
0xac: {  	[dreg:$0x1] =	wrdreg $0xFFFFFFFF  }
0xad: {  	[dreg:$0x0] =	wrdreg $0x60  }
0xae: {  	[dreg:$0x2] =	wrdreg s24  }
0xaf: {  	[dreg:$0x3] =	wrdreg $0x19A00  }
0xb0: {  	[dreg:$0x4] =	wrdreg $0x9  }
0xb1: {  	_ =	task.clear_ibuf [dreg:s6], $0x5FFFF;
	_ =	strace $0x9000004C  }
0xb2: {  	s29 =	simm.s32 $0x9;
	_ =	strace $0x8000004E  }
0xb3: {  	_ =	swait.ge [sflag:s29], $0x1  }
0xb4: {  	[sflag:s29] =	ssyncadd.s32 $0xFFFFFFFF  }
0xb5: {  	_ =	strace $0x9000004E  }
0xb6: {  	_ =	sfence  }
0xb7: {  	s30 =	sld [smem:$0x0];
	_ =	sdelay $0x2  }
0xb8: {  	s31 =	sshll.u32 s1, $0xD;
	s1 =	sshrl.u32 s1, $0x2  }
0xb9: {  	s3 =	sand.u32 $0x4000, s31;
	s1 =	sadd.s32 s1, s30  }
0xba: {  	s0 =	sor.u32 s3, s0;
	s1 =	sshll.u32 s1, $0x11  }
0xbb: {  	s0 =	sor.u32 s1, s0  }
0xbc: {  	s0 =	sadd.s32 $0x8F2B, s0  }
0xbd: {  	[sflag:s0] =	ssyncadd.remote.s32 $0x1  }
0xbe: {  	_ =	sfence.sel $0xFFFF  }
0xbf: {  	[dreg:$0x0] =	wrdreg $0xFFFFFFFF;
	(pc) =	sbr.abs _section_cstart, $3  }
0xc0: {  	[dreg:$0x1] =	wrdreg $0xFFFFFFFF  }
0xc1: {  	_ =	task.clear_ibuf [dreg:s6], $0x2FFFF;
	_ =	strace $0x9FFFFFFF  }
0xc2: {  	(tm) =	ssettm $0x7FFFFFFF  }
0xc3: {  	_ =	shalt  }
tec
execute0_lowered:
.L_overlay_start_1:
0x0: {  	(tag) =	ssettag $0x1  }
0x1: {  	s4 =	rddreg [dreg:$0x0]  }
0x2: {  	s2 =	rddreg [dreg:$0x1]  }
0x3: {  	s0 =	rddreg [dreg:$0x2]  }
0x4: {  	s1 =	stileid.u32;
	s5 =	srdreg.scid  }
0x5: {  	s3 =	simm.s32 $0x0;
	s13 =	simm.s32 $0x7D;
	s14 =	simm.s32 $0x0  }
0x6: {  	s5 =	sand.u32 $0x1, s5;
	s6 =	smul.u32 $0x5000, s1;
	[smem:$0x7FF] =	sst s3  }
0x7: {  	s7 =	sshll.u32 s1, $0x1;
	s9 =	smul.u32 $0x4E20, s1;
	s31 =	sshll.u32 s1, $0x6  }
0x8: {  	s8 =	smul.u32 $0x50000, s5;
	_ =	strace $0x8000004D;
	s7 =	sor.u32 s5, s7  }
0x9: {  	s10 =	ssub.s32 $0x2, s5;
	s12 =	smul.u32 $0x2710, s5;
	s5 =	sor.u32 $0x1C01, s31  }
0xa: {  	s7 =	smul.u32 $0x140, s7;
	s9 =	sadd.s32 s9, s4;
	s11 =	sshrl.u32 s10, $0x1  }
0xb: {  	s30 =	sadd.s32 s6, s2;
	s8 =	sadd.s32 s6, s8;
	s10 =	ssub.s32 s10, s11  }
0xc: {  	s9 =	sadd.s32 s12, s9;
	s11 =	simm.s32 $0x1;
	s8 =	sshrl.u32 s8, $0x3  }
0xd: {  	s12 =	simm.s32 $0xA00;
	s7 =	sadd.s32 s7, s4;
	s8 =	sadd.s32 s8, s4  }
0xe: {  	s9 =	sadd.s32 $0x2D0000, s9;
	s6 =	sadd.s32 $0x3600, s7;
	s4 =	sadd.s32 $0x2BC000, s8  }
0xf: {  	s7 =	sadd.s32 $0x2A8000, s8;
	s8 =	smax.u32 s10, $0x1;
	s10 =	sshrl.u32 s30, $0x3  }
.LBB2_1:
0x10: {  	[spmem:s10], [sflag:s5] =	dma.local [hbm:s4], $0xA00  }
0x11: {  	_ =	swait.ge [sflag:s11], $0xA00  }
0x12: {  	[sflag:s11] =	ssyncset.done $0x0  }
0x13: {  	[sflag:s11] =	ssyncadd.s32 $0xFFFFF600  }
0x14: {  	[tilespmem:s3], [sflag:$0x1] =	stream.linear.gather [hbm4b:s6+s3], $0xA00, $0x38;
	[tilespmem:$0x69A0] =	vst v63  }
0x15: {  	_ =	swait.ge [sflag:s11], $0xA00  }
0x16: {  	[sflag:s11] =	ssyncset.done $0x0  }
0x17: {  	[sflag:s11] =	ssyncadd.s32 $0xFFFFF600  }
0x18: {  	s15 =	sadd.s32 $0x0, s9;
	[bflag:$0x0] =	sbarrier.arrive $0xFFFF  }
0x19: {  	[tilespmem:s12], [sflag:$0x1] =	stream.linear.gather [hbm4b:s15+s3], $0xFA0, $0x38;
	[tilespmem:$0x69A0] =	vst v63  }
0x1a: {  	_ =	swait.ge [sflag:s11], $0xFA0  }
0x1b: {  	[sflag:s11] =	ssyncset.done $0x0  }
0x1c: {  	[sflag:s11] =	ssyncadd.s32 $0xFFFFF060  }
0x1d: {  	[spmem:s2] =	stream.indirect.scatter.add.f32 [tilespmem:s12], [sflag:$0x1], $0x20, s3, s13, $0xb8;
	[tilespmem:$0x69A0] =	vst v63  }
0x1e: {  	s16 =	simm.s32 $0x1F4;
	_ =	swait.ge [sflag:s11], $0xFA0  }
0x1f: {  	s17 =	simm.s32 $0x3E8;
	s15 =	simm.s32 $0x80;
	[sflag:s11] =	ssyncset.done $0x0  }
.LBB2_2:
0x20: {  	s18 =	sadd.s32 s16, s9  }
0x21: {  	[sflag:s11] =	ssyncadd.s32 $0xFFFFF060;
	s16 =	smov.u32 s17;
	s19 =	sadd.s32 $0x1F4, s17  }
0x22: {  	[tilespmem:s12], [sflag:$0x1] =	stream.linear.gather [hbm4b:s18+s3], $0xFA0, $0x38;
	[tilespmem:$0x69A0] =	vst v63  }
0x23: {  	p0 =	sne.s32 s17, $0x251C;
	_ =	swait.ge [sflag:s11], $0xFA0  }
.Ltmp0:
0x24: {  	[sflag:s11] =	ssyncset.done $0x0;
	(pc) =	sbr.rel @p0 .LBB2_2-.Ltmp0, $4  }
0x25: {  	[sflag:s11] =	ssyncadd.s32 $0xFFFFF060  }
0x26: {  	[spmem:s2] =	stream.indirect.scatter.add.f32 [tilespmem:s12], [sflag:$0x1], $0x20, s15, s13, $0xb8;
	[tilespmem:$0x69A0] =	vst v63  }
0x27: {  	_ =	swait.ge [sflag:s11], $0xFA0  }
0x28: {  	s17 =	smov.u32 s19;
	s15 =	sadd.s32 $0x80, s15;
	[sflag:s11] =	ssyncset.done $0x0  }
0x29: {  	s16 =	sadd.s32 s16, s9;
	[sflag:s11] =	ssyncadd.s32 $0xFFFFF060  }
0x2a: {  	[tilespmem:s12], [sflag:$0x1] =	stream.linear.gather [hbm4b:s16+s3], $0xFA0, $0x38;
	[tilespmem:$0x69A0] =	vst v63  }
0x2b: {  	_ =	swait.ge [sflag:s11], $0xFA0  }
0x2c: {  	[sflag:s11] =	ssyncset.done $0x0  }
0x2d: {  	[sflag:s11] =	ssyncadd.s32 $0xFFFFF060  }
0x2e: {  	[spmem:s2] =	stream.indirect.scatter.add.f32 [tilespmem:s12], [sflag:$0x1], $0x20, s15, s13, $0xb8;
	[tilespmem:$0x69A0] =	vst v63  }
0x2f: {  	_ =	swait.ge [sflag:s11], $0xFA0  }
0x30: {  	s14 =	sadd.s32 $0x1, s14;
	[sflag:s11] =	ssyncset.done $0x0  }
0x31: {  	p0 =	sne.s32 s14, s8;
	[sflag:s11] =	ssyncadd.s32 $0xFFFFF060  }
.Ltmp1:
0x32: {  	[bflag:$0x0] =	sbarrier.arrive $0xFFFF;
	(pc) =	sbr.rel @p0 .LBB2_1-.Ltmp1, $4  }
0x33: {  	[hbm:s7], [sflag:s5] =	dma.local [spmem:s10], $0xA00  }
0x34: {  	_ =	swait.ge [sflag:s11], $0xA00  }
0x35: {  	[sflag:s11] =	ssyncset.done $0x0  }
0x36: {  	[sflag:s11] =	ssyncadd.s32 $0xFFFFF600  }
0x37: {  	_ =	sfence.sel $0x180000  }
0x38: {  	[bflag:$0x0] =	sbarrier.arrive $0xFFFF  }
0x39: {  	p0 =	sne.s32 s1, $0x0;
	_ =	strace $0x9000004D  }
0x3a: {  	s0 =	sadd.s32 @!p0 $0x100000, s0;
	[bflag:$0x2] =	sbarrier.arrive $0xFFFF  }
0x3b: {  	[sflag:s0] =	ssyncadd.tile.s32 @!p0 $0x1;
	_ =	shalt  }
.Lfunc_end2:
_tile_overlayer_lowered:
.L_overlay_start_2:
0x3c: {  	(tag) =	ssettag $0x2  }
0x3d: {  	s0 =	rddreg [dreg:$0x0];
	s2 =	stileid.u32  }
0x3e: {  	s1 =	rddreg [dreg:$0x1];
	p0 =	sne.s32 s2, $0x0  }
0x3f: {  	s3 =	rddreg [dreg:$0x2];
	[bflag:$0x3] =	sbarrier.arrive $0xFFFF;
	s2 =	simm.s32 @!p0 $0x1C01  }
0x40: {  	[timem:s3], [sflag:s2] =	dma.local @!p0 [hbm:s0], s1  }
0x41: {  	s0 =	simm.s32 @!p0 $0x1  }
0x42: {  	_ =	swait.ge @!p0 [sflag:s0], s1  }
0x43: {  	s1 =	ssub.s32 @!p0 $0x0, s1;
	[sflag:s0] =	ssyncset.done @!p0 $0x0  }
0x44: {  	[sflag:s0] =	ssyncadd.s32 @!p0 s1  }
0x45: {  	[bflag:$0x3] =	sbarrier.arrive $0xFFFF  }
0x46: {  	_ =	shalt  }

// kernel: kernel.9.cloned.1.call-start
scs
__scs_entry_jumppad:
0x0: {  	(pc) =	sbr.rel $0x88, $3  }
0x1: {  	(tag) =	ssettag $0x0;
	lr =	simm.s32 $0x1  }
0x2: {  	[smem:$0x3F91] =	sst lr;
	_ =	strace $0xD0000000  }
0x3: {  	_ = 	snop  }
0x4: {  	_ = 	snop  }
0x5: {  	_ = 	snop  }
0x6: {  	_ = 	snop  }
0x7: {  	_ = 	snop  }
__scs_overlays_trampoline_lowered:
0x8: {  	[smem:$0x3FA0] =	sst s0  }
0x9: {  	[smem:$0x3FA1] =	sst s1  }
0xa: {  	[smem:$0x3FA2] =	sst s2  }
0xb: {  	[smem:$0x3FA3] =	sst s3  }
0xc: {  	[smem:$0x3FA4] =	sst s4  }
0xd: {  	[smem:$0x3FA5] =	sst s5  }
0xe: {  	[smem:$0x3FA6] =	sst s6  }
0xf: {  	[smem:$0x3FA7] =	sst s7  }
0x10: {  	[smem:$0x3FA8] =	sst s8  }
0x11: {  	[smem:$0x3FA9] =	sst s9;
	s0 =	simm.s32 @!p0 $0x0  }
0x12: {  	s1 =	sld [smem:$0x3F8F];
	s0 =	simm.s32 @p0 $0x1  }
0x13: {  	[smem:$0x3FAA] =	sst s0;
	s0 =	simm.s32 @!p1 $0x0  }
0x14: {  	s2 =	sld [smem:$0x3F8E];
	s0 =	simm.s32 @p1 $0x1  }
0x15: {  	[smem:$0x3FAB] =	sst s0;
	s0 =	simm.s32 @!p2 $0x0  }
0x16: {  	s3 =	sld [smem:$0x3FDB];
	s0 =	simm.s32 @p2 $0x1  }
0x17: {  	s4 =	simm.s32 $0x1BF5;
	[smem:$0x3FAD] =	sst s0  }
0x18: {  	s0 =	sld [smem:$0x3F90];
	_ =	swait.ge [sflag:s4], $0x0  }
0x19: {  	s7 =	sld [smem:$0x3F91]  }
0x1a: {  	s8 =	sadd.s32 $0xFFFFE003, lr  }
0x1b: {  	s9 =	sadd.s32 $0xFFFFFEF7, lr;
	s5 =	simm.s32 $0xFFFFFFFF;
	p2 =	slt.u32 s8, $0xFFFFF086  }
0x1c: {  	p1 =	slt.u32 s9, $0xF7A;
	s5 =	simm.s32 @!p2 $0x0  }
0x1d: {  	s5 =	simm.s32 @p1 $0x1;
	p0 =	seq.s32 s7, s2  }
0x1e: {  	s7 =	smul.u32 @!p0 $0xF7A, s2;
	p2 =	seq.s32 @!p0 s5, $0x0  }
0x1f: {  	s9 =	smul.u32 $0xF7A, s1;
	s8 =	simm.s32 @!p0 $0x1BF5;
	p2 =	por !p2, p0  }
0x20: {  	[sflag:s8] =	ssyncset.s32 @!p0 $0xFFFFF086;
	s6 =	sadd.s32 @!p0 s3, s7;
	s7 =	simm.s32 @!p0 $0x108  }
0x21: {  	s3 =	sadd.s32 s3, s9;
	s6 =	sadd.s32 @!p0 $0x88, s6;
	s7 =	simm.s32 @p2 $0x1082  }
0x22: {  	[simem:s7], [sflag:s8] =	dma.local @!p0 [hbm:s6], $0xF7A  }
0x23: {  	s9 =	sor.u32 $0xD0000000, s2;
	s6 =	simm.s32 $0x108;
	_ =	swait.ge @!p0 [sflag:s8], $0x0  }
0x24: {  	s3 =	sadd.s32 $0x88, s3;
	s6 =	simm.s32 @!p1 $0x1082;
	[sflag:s4] =	ssyncset.s32 $0xFFFFF086  }
0x25: {  	[simem:s6], [sflag:s4] =	dma.local [hbm:s3], $0xF7A  }
0x26: {  	[smem:$0x3F91] =	sst s1;
	(tag) =	ssettag s2;
	_ =	strace s9  }
0x27: {  	s1 =	sld [smem:$0x3FA1]  }
0x28: {  	s2 =	sld [smem:$0x3FA2]  }
0x29: {  	s4 =	sld [smem:$0x3FA4]  }
0x2a: {  	p0 =	seq.s32 s5, $0x0;
	s5 =	sld [smem:$0x3FA5]  }
0x2b: {  	s6 =	sld [smem:$0x3FA6]  }
0x2c: {  	s7 =	sld [smem:$0x3FA7]  }
0x2d: {  	s3 =	simm.s32 $0x108;
	s8 =	sld [smem:$0x3FA8]  }
0x2e: {  	s3 =	simm.s32 @!p0 $0x1082;
	s9 =	sld [smem:$0x3FA9]  }
0x2f: {  	lr =	sadd.s32 s0, s3;
	s0 =	sld [smem:$0x3FA0]  }
0x30: {  	s3 =	sld [smem:$0x3FA3]  }
0x31: {  	[smem:$0x3FAC] =	sst s10  }
0x32: {  	s10 =	sld [smem:$0x3FAA];
	_ =	sdelay $0x3  }
0x33: {  	p0 =	seq.s32 s10, $0x1;
	s10 =	sld [smem:$0x3FAC];
	_ =	sdelay $0x3  }
0x34: {  	[smem:$0x3FAC] =	sst s10  }
0x35: {  	s10 =	sld [smem:$0x3FAB];
	_ =	sdelay $0x3  }
0x36: {  	p1 =	seq.s32 s10, $0x1;
	s10 =	sld [smem:$0x3FAC];
	_ =	sdelay $0x3  }
0x37: {  	[smem:$0x3FAC] =	sst s10  }
0x38: {  	s10 =	sld [smem:$0x3FAD]  }
0x39: {  	_ = 	snop;
	(pc) =	sbr.ind lr, $3  }
0x3a: {  	_ = 	snop  }
0x3b: {  	_ = 	snop  }
0x3c: {  	p2 =	seq.s32 s10, $0x1;
	s10 =	sld [smem:$0x3FAC]  }
0x3d: {  	_ =	shalt  }
0x3e: {  	_ =	shalt  }
0x3f: {  	_ =	shalt  }
0x40: {  	_ =	shalt  }
0x41: {  	_ =	shalt  }
0x42: {  	_ =	shalt  }
0x43: {  	_ =	shalt  }
0x44: {  	_ =	shalt  }
0x45: {  	_ =	shalt  }
0x46: {  	_ =	shalt  }
0x47: {  	_ =	shalt  }
0x48: {  	_ =	shalt  }
0x49: {  	_ =	shalt  }
0x4a: {  	_ =	shalt  }
0x4b: {  	_ =	shalt  }
0x4c: {  	_ =	shalt  }
0x4d: {  	_ =	shalt  }
0x4e: {  	_ =	shalt  }
0x4f: {  	_ =	shalt  }
0x50: {  	_ =	shalt  }
0x51: {  	_ =	shalt  }
0x52: {  	_ =	shalt  }
0x53: {  	_ =	shalt  }
0x54: {  	_ =	shalt  }
0x55: {  	_ =	shalt  }
0x56: {  	_ =	shalt  }
0x57: {  	_ =	shalt  }
0x58: {  	_ =	shalt  }
0x59: {  	_ =	shalt  }
0x5a: {  	_ =	shalt  }
0x5b: {  	_ =	shalt  }
0x5c: {  	_ =	shalt  }
0x5d: {  	_ =	shalt  }
0x5e: {  	_ =	shalt  }
0x5f: {  	_ =	shalt  }
0x60: {  	_ =	shalt  }
0x61: {  	_ =	shalt  }
0x62: {  	_ =	shalt  }
0x63: {  	_ =	shalt  }
0x64: {  	_ =	shalt  }
0x65: {  	_ =	shalt  }
0x66: {  	_ =	shalt  }
0x67: {  	_ =	shalt  }
0x68: {  	_ =	shalt  }
0x69: {  	_ =	shalt  }
0x6a: {  	_ =	shalt  }
0x6b: {  	_ =	shalt  }
0x6c: {  	_ =	shalt  }
0x6d: {  	_ =	shalt  }
0x6e: {  	_ =	shalt  }
0x6f: {  	_ =	shalt  }
0x70: {  	_ =	shalt  }
0x71: {  	_ =	shalt  }
0x72: {  	_ =	shalt  }
0x73: {  	_ =	shalt  }
0x74: {  	_ =	shalt  }
0x75: {  	_ =	shalt  }
0x76: {  	_ =	shalt  }
0x77: {  	_ =	shalt  }
0x78: {  	_ =	shalt  }
0x79: {  	_ =	shalt  }
0x7a: {  	_ =	shalt  }
0x7b: {  	_ =	shalt  }
0x7c: {  	_ =	shalt  }
0x7d: {  	_ =	shalt  }
0x7e: {  	_ =	shalt  }
0x7f: {  	_ =	shalt  }
0x80: {  	_ =	shalt  }
0x81: {  	_ =	shalt  }
0x82: {  	_ =	shalt  }
0x83: {  	_ =	shalt  }
0x84: {  	_ =	shalt  }
0x85: {  	_ =	shalt  }
0x86: {  	_ =	shalt  }
0x87: {  	_ =	shalt  }
.Lfunc_end0:
.L_simem_size_0:
called_computation_lowered:
.L_overlay_start_0:
0x88: {  	s2 =	sld [smem:$0x3FD9]  }
0x89: {  	s3 =	sld [smem:$0x3FFE];
	_ =	sdelay $0x1  }
0x8a: {  	s1 =	srdreg.scid  }
0x8b: {  	s0 =	sand.u32 $0x1, s1  }
0x8c: {  	s17 =	sshll.u32 s0, $0xA;
	s2 =	sadd.s32 s3, s2  }
0x8d: {  	s2 =	sadd.s32 s2, s17  }
0x8e: {  	[smem:$0x3FB8] =	sst s2  }
0x8f: {  	_ = 	snop  }
0x90: {  	s2 =	sld [smem:$0x3FC9];
	(tm) =	ssettm $0x1  }
0x91: {  	s18 =	sld [smem:$0x3FFB];
	_ =	sdelay $0x3  }
0x92: {  	_ =	strace s18  }
0x93: {  	s3 =	sld [smem:$0x3FFC];
	_ =	sdelay $0x3  }
0x94: {  	_ =	strace s3  }
0x95: {  	s3 =	sld [smem:$0x3FFD];
	_ =	sdelay $0x3  }
0x96: {  	_ =	strace s3  }
0x97: {  	_ =	strace $0x8FFFFFFF  }
0x98: {  	s19 =	sld [smem:$0x3FDB];
	_ =	sdelay $0x1  }
0x99: {  	s4 =	simm.s32 $_scs_section_size  }
0x9a: {  	s5 =	simm.s32 $_size__tile_overlayer_lowered;
	s6 =	simm.s32 $_tile_overlayer_lowered  }
0x9b: {  	s22 =	simm.s32 $0x1BFF;
	s21 =	sshll.u32 s6, $0x1;
	s3 =	sadd.s32 s4, s19  }
0x9c: {  	s7 =	simm.s32 $0x0;
	s20 =	sshll.u32 s5, $0x1;
	s5 =	sadd.s32 s21, s3  }
0x9d: {  	[timem:s7], [sflag:s22] =	dma.local [hbm:s5], s20  }
0x9e: {  	_ =	swait.ge [sflag:s22], s20  }
0x9f: {  	s4 =	ssub.s32 $0x0, s20;
	[sflag:s22] =	ssyncset.done $0x0  }
0xa0: {  	[sflag:s22] =	ssyncadd.s32 s4;
	_ =	sdelay $0x1  }
0xa1: {  	s23 =	simm.s32 $0x1B8B  }
0xa2: {  	_ =	swait.ge [sflag:s23], $0x1  }
0xa3: {  	[sflag:s23] =	ssyncset.done $0x0  }
0xa4: {  	s25 =	simm.s32 $0x1B8E;
	s24 =	sld [smem:$0x3FFE];
	[sflag:s23] =	ssyncadd.s32 $0xFFFFFFFF  }
0xa5: {  	s26 =	simm.s32 $execute0_lowered;
	[smem:$0x3FD2] =	sst s25  }
0xa6: {  	s5 =	sshll.u32 s26, $0x1;
	_ =	strace $0x80000046;
	[dreg:$0x1] =	wrdreg $0xFFFFFFFF  }
0xa7: {  	s28 =	simm.s32 $_size_execute0_lowered;
	s3 =	sadd.s32 s3, s5;
	[dreg:$0x0] =	wrdreg $0x0  }
0xa8: {  	s5 =	sshll.u32 s28, $0x1;
	[dreg:$0x2] =	wrdreg s3  }
0xa9: {  	[dreg:$0x3] =	wrdreg s5  }
0xaa: {  	[dreg:$0x4] =	wrdreg $0xC0  }
0xab: {  	_ =	task [dreg:s7], $0x5FFFF  }
0xac: {  	[dreg:$0x1] =	wrdreg $0xFFFFFFFF  }
0xad: {  	[dreg:$0x0] =	wrdreg $0x60  }
0xae: {  	[dreg:$0x2] =	wrdreg s2  }
0xaf: {  	[dreg:$0x3] =	wrdreg s24  }
0xb0: {  	[dreg:$0x4] =	wrdreg $0x9  }
0xb1: {  	_ =	task.clear_ibuf [dreg:s7], $0x5FFFF;
	_ =	strace $0x90000046  }
0xb2: {  	s29 =	simm.s32 $0x9;
	_ =	strace $0x80000048  }
0xb3: {  	_ =	swait.ge [sflag:s29], $0x1  }
0xb4: {  	[sflag:s29] =	ssyncadd.s32 $0xFFFFFFFF  }
0xb5: {  	_ =	strace $0x90000048  }
0xb6: {  	_ =	sfence  }
0xb7: {  	s30 =	sld [smem:$0x0];
	_ =	sdelay $0x2  }
0xb8: {  	s31 =	sshll.u32 s1, $0xD;
	s1 =	sshrl.u32 s1, $0x2  }
0xb9: {  	s3 =	sand.u32 $0x4000, s31;
	s1 =	sadd.s32 s1, s30  }
0xba: {  	s0 =	sor.u32 s3, s0;
	s1 =	sshll.u32 s1, $0x11  }
0xbb: {  	s0 =	sor.u32 s1, s0  }
0xbc: {  	s0 =	sadd.s32 $0x8F2B, s0  }
0xbd: {  	[sflag:s0] =	ssyncadd.remote.s32 $0x1  }
0xbe: {  	_ =	sfence.sel $0xFFFF  }
0xbf: {  	[dreg:$0x0] =	wrdreg $0xFFFFFFFF;
	(pc) =	sbr.abs _section_cstart, $3  }
0xc0: {  	[dreg:$0x1] =	wrdreg $0xFFFFFFFF  }
0xc1: {  	_ =	task.clear_ibuf [dreg:s7], $0x2FFFF;
	_ =	strace $0x9FFFFFFF  }
0xc2: {  	(tm) =	ssettm $0x7FFFFFFF  }
0xc3: {  	_ =	shalt  }
tec
execute0_lowered:
.L_overlay_start_1:
0x0: {  	(tag) =	ssettag $0x1  }
0x1: {  	s1 =	srdreg.scid;
	s2 =	rddreg [dreg:$0x0]  }
0x2: {  	s0 =	stileid.u32;
	s5 =	rddreg [dreg:$0x1]  }
0x3: {  	s3 =	simm.s32 $0x0;
	s11 =	simm.s32 $0x0;
	s4 =	sand.u32 $0x1, s1  }
0x4: {  	s28 =	sshll.u32 s0, $0x1;
	s1 =	rddreg [dreg:$0x2];
	s7 =	smul.u32 $0x27100, s0  }
0x5: {  	[smem:$0x7FF] =	sst s3;
	s6 =	sor.u32 s4, s28;
	s10 =	smul.u32 $0x13880, s4  }
0x6: {  	s8 =	ssub.s32 $0x2, s4;
	_ =	strace $0x80000047;
	s6 =	smul.u32 $0x280, s6  }
0x7: {  	s9 =	sshrl.u32 s8, $0x1;
	s30 =	sadd.s32 s7, s5;
	s7 =	simm.s32 $0x2  }
0x8: {  	s31 =	ssub.s32 s8, s9;
	s8 =	simm.s32 $0x7D;
	s9 =	simm.s32 $0x1400  }
0x9: {  	s29 =	sadd.s32 s6, s5;
	s5 =	smax.u32 s31, $0x1;
	s6 =	sadd.s32 s10, s30  }
0xa: {  	s10 =	simm.s32 $0x1;
	s4 =	sadd.s32 $0x8600, s29;
	s6 =	sadd.s32 $0xD600, s6  }
.LBB2_1:
0xb: {  	[tilespmem:s3], [sflag:$0x2] =	stream.linear.gather [hbm4b:s4+s3], $0x1400, $0x38;
	[tilespmem:$0x5280] =	vst v63  }
0xc: {  	_ =	swait.ge [sflag:s7], $0x1400  }
0xd: {  	[sflag:s7] =	ssyncset.done $0x0  }
0xe: {  	s12 =	simm.s32 $0x0;
	[sflag:s7] =	ssyncadd.s32 $0xFFFFEC00  }
0xf: {  	[tilespmem:s9], [sflag:$0x1] =	stream.indirect.gather [hbm4b:s2+s8], $0x80, s12, s8, $0xb8;
	[tilespmem:$0x5280] =	vst v63  }
0x10: {  	_ =	swait.ge [sflag:s10], $0x3E80  }
0x11: {  	[sflag:s10] =	ssyncset.done $0x0  }
0x12: {  	[sflag:s10] =	ssyncadd.s32 $0xFFFFC180  }
0x13: {  	[hbm4b:s6+s3] =	stream.linear.scatter [tilespmem:s9], [sflag:$0x2], $0x3E80, $0x38;
	[tilespmem:$0x5280] =	vst v63  }
0x14: {  	s13 =	simm.s32 $0x200;
	_ =	swait.ge [sflag:s7], $0x3E80  }
0x15: {  	s14 =	simm.s32 $0x400;
	s12 =	sadd.s32 $0x7D0, s6;
	[sflag:s7] =	ssyncset.done $0x0  }
.LBB2_2:
0x16: {  	s15 =	sshra.s32 s13, $0x2  }
0x17: {  	[sflag:s7] =	ssyncadd.s32 $0xFFFFC180;
	s13 =	smov.u32 s14;
	s16 =	sadd.s32 $0x200, s14  }
0x18: {  	[tilespmem:s9], [sflag:$0x1] =	stream.indirect.gather [hbm4b:s2+s8], $0x80, s15, s8, $0xb8;
	[tilespmem:$0x5280] =	vst v63  }
0x19: {  	p0 =	sne.s32 s14, $0x4E00;
	_ =	swait.ge [sflag:s10], $0x3E80  }
.Ltmp0:
0x1a: {  	[sflag:s10] =	ssyncset.done $0x0;
	(pc) =	sbr.rel @p0 .LBB2_2-.Ltmp0, $4  }
0x1b: {  	[sflag:s10] =	ssyncadd.s32 $0xFFFFC180  }
0x1c: {  	[hbm4b:s12+s3] =	stream.linear.scatter [tilespmem:s9], [sflag:$0x2], $0x3E80, $0x38;
	[tilespmem:$0x5280] =	vst v63  }
0x1d: {  	_ =	swait.ge [sflag:s7], $0x3E80  }
0x1e: {  	s14 =	smov.u32 s16;
	s12 =	sadd.s32 $0x7D0, s12;
	[sflag:s7] =	ssyncset.done $0x0  }
0x1f: {  	s13 =	sshra.s32 s13, $0x2;
	[sflag:s7] =	ssyncadd.s32 $0xFFFFC180  }
0x20: {  	[tilespmem:s9], [sflag:$0x1] =	stream.indirect.gather [hbm4b:s2+s8], $0x80, s13, s8, $0xb8;
	[tilespmem:$0x5280] =	vst v63  }
0x21: {  	s11 =	sadd.s32 $0x1, s11;
	_ =	swait.ge [sflag:s10], $0x3E80  }
0x22: {  	p0 =	sne.s32 s11, s5;
	[sflag:s10] =	ssyncset.done $0x0  }
.Ltmp1:
0x23: {  	[sflag:s10] =	ssyncadd.s32 $0xFFFFC180;
	(pc) =	sbr.rel @p0 .LBB2_1-.Ltmp1, $4  }
0x24: {  	[hbm4b:s12+s3] =	stream.linear.scatter [tilespmem:s9], [sflag:$0x2], $0x3E80, $0x38;
	[tilespmem:$0x5280] =	vst v63  }
0x25: {  	_ =	swait.ge [sflag:s7], $0x3E80  }
0x26: {  	[sflag:s7] =	ssyncset.done $0x0  }
0x27: {  	[sflag:s7] =	ssyncadd.s32 $0xFFFFC180  }
0x28: {  	_ =	sfence.sel $0x180000  }
0x29: {  	[bflag:$0x0] =	sbarrier.arrive $0xFFFF  }
0x2a: {  	p0 =	sne.s32 s0, $0x0;
	_ =	strace $0x90000047  }
0x2b: {  	s0 =	sadd.s32 @!p0 $0x100000, s1;
	[bflag:$0x2] =	sbarrier.arrive $0xFFFF  }
0x2c: {  	[sflag:s0] =	ssyncadd.tile.s32 @!p0 $0x1;
	_ =	shalt  }
.Lfunc_end2:
_tile_overlayer_lowered:
.L_overlay_start_2:
0x2d: {  	(tag) =	ssettag $0x2  }
0x2e: {  	s0 =	rddreg [dreg:$0x0];
	s2 =	stileid.u32  }
0x2f: {  	s1 =	rddreg [dreg:$0x1];
	p0 =	sne.s32 s2, $0x0  }
0x30: {  	s3 =	rddreg [dreg:$0x2];
	[bflag:$0x3] =	sbarrier.arrive $0xFFFF;
	s2 =	simm.s32 @!p0 $0x1C02  }
0x31: {  	[timem:s3], [sflag:s2] =	dma.local @!p0 [hbm:s0], s1  }
0x32: {  	s0 =	simm.s32 @!p0 $0x2  }
0x33: {  	_ =	swait.ge @!p0 [sflag:s0], s1  }
0x34: {  	s1 =	ssub.s32 @!p0 $0x0, s1;
	[sflag:s0] =	ssyncset.done @!p0 $0x0  }
0x35: {  	[sflag:s0] =	ssyncadd.s32 @!p0 s1  }
0x36: {  	[bflag:$0x3] =	sbarrier.arrive $0xFFFF  }
0x37: {  	_ =	shalt  }

</sc_bundles>
